<compile_context>
chip_gen: v7x
topology: tpu7x:2x2x1
jax: 0.10.2.dev20260603
libtpu: 0.0.44.dev20260713+nightly
codegen_flags: <defaults>
</compile_context>

<pallas_src>
import jax
import jax.numpy as jnp
from jax import lax
from jax.experimental import pallas as pl
from jax.experimental.pallas import tpu as pltpu
from jax.experimental.pallas import tpu_sc as plsc

N = 10000
E = 320000
D = 256
DH = 128
NSUB = 16
CHUNK = 128
EPW = E // NSUB
ROWS_SPMM = 158
EPW_PAD = ROWS_SPMM * CHUNK
ROWS_DEG = ROWS_SPMM
PAIRS = ROWS_SPMM // 2
ACC_ROWS = N + NSUB
ZR = ACC_ROWS // NSUB
OR = N // NSUB

_SC_MESH = plsc.VectorSubcoreMesh(core_axis_name="c", subcore_axis_name="s")
_SC_PARAMS = pltpu.CompilerParams(use_tc_tiling_on_sc=False)


def _deg_body(e_hbm, zeros_hbm, ones_hbm, deg_hbm, idx_e, ones_v, dacc):
    sid = lax.axis_index("s")
    pltpu.sync_copy(zeros_hbm, dacc.at[pl.ds(sid * ZR, ZR)])
    pltpu.sync_copy(ones_hbm, ones_v)
    pltpu.sync_copy(e_hbm.at[pl.ds(sid * ROWS_DEG, ROWS_DEG)], idx_e)
    plsc.subcore_barrier()

    def body(j, carry):
        pltpu.sync_copy(ones_v, dacc.at[idx_e.at[j, 1]], add=True)
        return carry

    lax.fori_loop(0, ROWS_DEG, body, 0)
    plsc.subcore_barrier()
    pltpu.sync_copy(dacc.at[pl.ds(sid * OR, OR)],
                    deg_hbm.at[pl.ds(sid * OR, OR)])


def _sc_degree(e_p):
    zeros = jnp.zeros((ZR, 8), jnp.float32)
    ones = jnp.ones((CHUNK, 8), jnp.float32)
    f = pl.kernel(
        _deg_body,
        out_type=jax.ShapeDtypeStruct((N, 8), jnp.float32),
        mesh=_SC_MESH,
        scratch_types=[
            pltpu.VMEM((ROWS_DEG, 2, CHUNK), jnp.int32),
            pltpu.VMEM((CHUNK, 8), jnp.float32),
            pltpu.VMEM_SHARED((ACC_ROWS, 8), jnp.float32),
        ],
        compiler_params=_SC_PARAMS,
    )
    return f(e_p, zeros, ones)


def _spmm_body(e_hbm, ya_hbm, yb_hbm, zeros_hbm, out_hbm,
               ib0, ib1, rows0, rows1, acc, si0, si1, sg0, sg1, ss0, ss1):
    cid = lax.axis_index("c")
    sid = lax.axis_index("s")
    pltpu.sync_copy(zeros_hbm, acc.at[pl.ds(sid * ZR, ZR)])
    plsc.subcore_barrier()

    for c, y_hbm in enumerate((ya_hbm, yb_hbm)):
        @pl.when(cid == c)
        def _(y_hbm=y_hbm):
            base = sid * ROWS_SPMM

            def pair(jj, carry):
                c0 = base + 2 * jj
                d0 = pltpu.async_copy(e_hbm.at[pl.ds(c0, 1)], ib0, si0)
                d1 = pltpu.async_copy(e_hbm.at[pl.ds(c0 + 1, 1)], ib1, si1)
                d0.wait()
                g0 = pltpu.async_copy(y_hbm.at[ib0.at[0, 0]], rows0, sg0)
                d1.wait()
                g1 = pltpu.async_copy(y_hbm.at[ib1.at[0, 0]], rows1, sg1)
                g0.wait()
                s0 = pltpu.async_copy(rows0, acc.at[ib0.at[0, 1]],
                                      ss0, add=True)
                g1.wait()
                s1 = pltpu.async_copy(rows1, acc.at[ib1.at[0, 1]],
                                      ss1, add=True)
                s0.wait()
                s1.wait()
                return carry

            lax.fori_loop(0, PAIRS, pair, 0)

    plsc.subcore_barrier()
    for c in range(2):
        @pl.when(cid == c)
        def _(c=c):
            pltpu.sync_copy(acc.at[pl.ds(sid * OR, OR)],
                            out_hbm.at[c, pl.ds(sid * OR, OR)])


def _sc_spmm(e_p, ya, yb):
    zeros = jnp.zeros((ZR, DH), jnp.float32)
    f = pl.kernel(
        _spmm_body,
        out_type=jax.ShapeDtypeStruct((2, N, DH), jnp.float32),
        mesh=_SC_MESH,
        scratch_types=[
            pltpu.VMEM((1, 2, CHUNK), jnp.int32),
            pltpu.VMEM((1, 2, CHUNK), jnp.int32),
            pltpu.VMEM((CHUNK, DH), jnp.float32),
            pltpu.VMEM((CHUNK, DH), jnp.float32),
            pltpu.VMEM_SHARED((ACC_ROWS, DH), jnp.float32),
            pltpu.SemaphoreType.DMA,
            pltpu.SemaphoreType.DMA,
            pltpu.SemaphoreType.DMA,
            pltpu.SemaphoreType.DMA,
            pltpu.SemaphoreType.DMA,
            pltpu.SemaphoreType.DMA,
        ],
        compiler_params=_SC_PARAMS,
    )
    return f(e_p, ya, yb, zeros)


_BLK = 1000


def _dinv_blk(deg_ref):
    return lax.rsqrt(deg_ref[:, 0:1] + 1.0)


def _pre_body(x_ref, w_ref, deg_ref, ya_ref, yb_ref):
    y = _dinv_blk(deg_ref) * jnp.dot(x_ref[...], w_ref[...],
                                     preferred_element_type=jnp.float32)
    ya_ref[...] = y[:, :DH]
    yb_ref[...] = y[:, DH:]


def _mid_body(acc_ref, ya_ref, yb_ref, deg_ref, b_ref, w_ref,
              oa_ref, ob_ref):
    dinv = _dinv_blk(deg_ref)
    acc = jnp.concatenate([acc_ref[0], acc_ref[1]], axis=-1)
    y = jnp.concatenate([ya_ref[...], yb_ref[...]], axis=-1)
    h = jnp.maximum(dinv * (acc + y) + b_ref[...], 0.0)
    y2 = dinv * jnp.dot(h, w_ref[...], preferred_element_type=jnp.float32)
    oa_ref[...] = y2[:, :DH]
    ob_ref[...] = y2[:, DH:]


def _post_body(acc_ref, ya_ref, yb_ref, deg_ref, b_ref, out_ref):
    dinv = _dinv_blk(deg_ref)
    acc = jnp.concatenate([acc_ref[0], acc_ref[1]], axis=-1)
    y = jnp.concatenate([ya_ref[...], yb_ref[...]], axis=-1)
    out_ref[...] = dinv * (acc + y) + b_ref[...]


def _row_spec(width):
    return pl.BlockSpec((_BLK, width), lambda i: (i, 0))


_ACC_SPEC = pl.BlockSpec((2, _BLK, DH), lambda i: (0, i, 0))
_FULL_SPEC = pl.BlockSpec((D, D), lambda i: (0, 0))
_B_SPEC = pl.BlockSpec((1, D), lambda i: (0, 0))
_HALF_OUT = jax.ShapeDtypeStruct((N, DH), jnp.float32)


def _tc_pre(x, w1t, deg):
    return pl.pallas_call(
        _pre_body,
        grid=(N // _BLK,),
        in_specs=[_row_spec(D), _FULL_SPEC, _row_spec(8)],
        out_specs=[_row_spec(DH), _row_spec(DH)],
        out_shape=[_HALF_OUT, _HALF_OUT],
    )(x, w1t, deg)


def _tc_mid(acc, ya, yb, deg, b, w2t):
    return pl.pallas_call(
        _mid_body,
        grid=(N // _BLK,),
        in_specs=[_ACC_SPEC, _row_spec(DH), _row_spec(DH), _row_spec(8),
                  _B_SPEC, _FULL_SPEC],
        out_specs=[_row_spec(DH), _row_spec(DH)],
        out_shape=[_HALF_OUT, _HALF_OUT],
    )(acc, ya, yb, deg, b, w2t)


def _tc_post(acc, ya, yb, deg, b):
    return pl.pallas_call(
        _post_body,
        grid=(N // _BLK,),
        in_specs=[_ACC_SPEC, _row_spec(DH), _row_spec(DH), _row_spec(8),
                  _B_SPEC],
        out_specs=_row_spec(D),
        out_shape=jax.ShapeDtypeStruct((N, D), jnp.float32),
    )(acc, ya, yb, deg, b)


def kernel(x, edge_index, W1, b1, W2, b2):
    src = edge_index[0].reshape(NSUB, EPW)
    dst = edge_index[1].reshape(NSUB, EPW)
    pad = EPW_PAD - EPW
    src_p = jnp.pad(src, ((0, 0), (0, pad))).reshape(NSUB, ROWS_SPMM, CHUNK)
    dst_p = jnp.pad(dst, ((0, 0), (0, pad)),
                    constant_values=N).reshape(NSUB, ROWS_SPMM, CHUNK)
    e_p = jnp.stack([src_p, dst_p], axis=2).reshape(NSUB * ROWS_SPMM, 2, CHUNK)

    deg = _sc_degree(e_p)
    ya1, yb1 = _tc_pre(x, W1.T, deg)
    acc1 = _sc_spmm(e_p, ya1, yb1)
    ya2, yb2 = _tc_mid(acc1, ya1, yb1, deg, b1.reshape(1, D), W2.T)
    acc2 = _sc_spmm(e_p, ya2, yb2)
    return _tc_post(acc2, ya2, yb2, deg, b2.reshape(1, D))

# --- scband reference (transcript-rebuilt; emitter-appended) ---
"""Pipeline reference for scband-graph-encoder-1108101562621 (READ-ONLY COPY).

The authoritative reference and input builder live on the scoring server;
editing this copy changes nothing except your own understanding.
"""

import jax, jax.numpy as jnp
import numpy as np

N = 10000
E = 320000
D_IN = 256
D_HID = 256
D_OUT = 256


def setup_inputs(seed: int = 0) -> dict:
    key = jax.random.key(seed)
    k1, k2, k3, k4, k5, k6 = jax.random.split(key, 6)
    x = jax.random.normal(k1, (N, D_IN), dtype=jnp.float32)
    edge_index = jax.random.randint(k2, (2, E), 0, N, dtype=jnp.int32)
    # GCNConv layer 1: in=256 -> hidden=256
    W1 = jax.random.normal(k3, (D_HID, D_IN), dtype=jnp.float32) * (1.0 / np.sqrt(D_IN))
    b1 = jnp.zeros((D_HID,), dtype=jnp.float32)
    # GCNConv layer 2: hidden=256 -> out=256
    W2 = jax.random.normal(k4, (D_OUT, D_HID), dtype=jnp.float32) * (1.0 / np.sqrt(D_HID))
    b2 = jnp.zeros((D_OUT,), dtype=jnp.float32)
    return {"x": x, "edge_index": edge_index, "W1": W1, "b1": b1, "W2": W2, "b2": b2}


def gcn_conv(x, edge_index, W, b):
    # Faithful PyG GCNConv (add_self_loops=True, symmetric normalization)
    n = x.shape[0]
    src = edge_index[0]
    dst = edge_index[1]
    loop = jnp.arange(n, dtype=src.dtype)
    src = jnp.concatenate([src, loop])
    dst = jnp.concatenate([dst, loop])
    xw = x @ W.T
    deg = jax.ops.segment_sum(jnp.ones(src.shape[0], dtype=x.dtype), dst, num_segments=n)
    dinv = jnp.where(deg > 0, deg ** -0.5, 0.0)
    norm = dinv[src] * dinv[dst]
    msgs = jnp.take(xw, src, axis=0) * norm[:, None]
    out = jax.ops.segment_sum(msgs, dst, num_segments=n)
    return out + b


def reference(x, edge_index, W1, b1, W2, b2):
    h = gcn_conv(x, edge_index, W1, b1)
    h = jax.nn.relu(h)
    # nn.Dropout is identity at inference time
    out = gcn_conv(h, edge_index, W2, b2)
    return out

if __name__ == "__main__":
    import jax
    _d = setup_inputs()
    print(jax.jit(kernel)(*tuple(_d.values())))

</pallas_src>

<mosaic_0001>
#map = affine_map<(d0, d1) -> (0, 0, 0)>
#map1 = affine_map<(d0, d1) -> (0, 0)>
module attributes {stable_mosaic.version = 14 : i64} {
  func.func @_deg_body(%arg0: i32, %arg1: i32, %arg2: memref<2528x2x128xi32, #tpu.memory_space<hbm>>, %arg3: memref<626x8xf32, #tpu.memory_space<hbm>>, %arg4: memref<128x8xf32, #tpu.memory_space<hbm>>, %arg5: memref<10000x8xf32, #tpu.memory_space<hbm>>, %arg6: memref<158x2x128xi32, #tpu.memory_space<vmem>>, %arg7: memref<128x8xf32, #tpu.memory_space<vmem>>, %arg8: memref<10016x8xf32, #tpu.memory_space<vmem_shared>>) attributes {dimension_semantics = [#tpu.dimension_semantics<core_parallel>, #tpu.dimension_semantics<subcore_parallel>], iteration_bounds = array<i64: 2, 16>, scalar_prefetch = 0 : i64, scratch_operands = 3 : i64, tpu.core_type = #tpu.core_type<sc_vector_subcore>, window_params = [{transform_indices = #map}, {transform_indices = #map1}, {transform_indices = #map1}, {transform_indices = #map1}]} {
    %mul3A = arith.constant 626 : i32
    %mul3A_0 = arith.muli %arg1, %mul3A : i32
    "tpu.region"() ({
      %run_scoped3A = tpu.sem_alloc : memref<!tpu.dma_semaphore, #tpu.memory_space<semaphore_mem>>
      %dma_start3A = arith.constant 0 : i32
      %dma_start3A_13 = tpu.memref_slice %arg8[%mul3A_0, %dma_start3A] : memref<10016x8xf32, #tpu.memory_space<vmem_shared>> -> memref<626x8xf32, #tpu.memory_space<vmem_shared>>
      tpu.enqueue_dma source(%arg3 : memref<626x8xf32, #tpu.memory_space<hbm>>) target(%dma_start3A_13 : memref<626x8xf32, #tpu.memory_space<vmem_shared>>) target_semaphore(%run_scoped3A : memref<!tpu.dma_semaphore, #tpu.memory_space<semaphore_mem>>)
      %dma_wait3A = arith.constant 0 : i32
      %dma_wait3A_14 = tpu.memref_slice %arg8[%mul3A_0, %dma_wait3A] : memref<10016x8xf32, #tpu.memory_space<vmem_shared>> -> memref<626x8xf32, #tpu.memory_space<vmem_shared>>
      tpu.wait_dma2 semaphore(%run_scoped3A : memref<!tpu.dma_semaphore, #tpu.memory_space<semaphore_mem>>) src(%arg3 : memref<626x8xf32, #tpu.memory_space<hbm>>) dst(%dma_wait3A_14 : memref<626x8xf32, #tpu.memory_space<vmem_shared>>)
      tpu.yield
    }) : () -> ()
    "tpu.region"() ({
      %run_scoped3A = tpu.sem_alloc : memref<!tpu.dma_semaphore, #tpu.memory_space<semaphore_mem>>
      tpu.enqueue_dma source(%arg4 : memref<128x8xf32, #tpu.memory_space<hbm>>) target(%arg7 : memref<128x8xf32, #tpu.memory_space<vmem>>) target_semaphore(%run_scoped3A : memref<!tpu.dma_semaphore, #tpu.memory_space<semaphore_mem>>)
      tpu.wait_dma2 semaphore(%run_scoped3A : memref<!tpu.dma_semaphore, #tpu.memory_space<semaphore_mem>>) src(%arg4 : memref<128x8xf32, #tpu.memory_space<hbm>>) dst(%arg7 : memref<128x8xf32, #tpu.memory_space<vmem>>)
      tpu.yield
    }) : () -> ()
    %mul3A_1 = arith.constant 158 : i32
    %mul3A_2 = arith.muli %arg1, %mul3A_1 : i32
    "tpu.region"() ({
      %run_scoped3A = tpu.sem_alloc : memref<!tpu.dma_semaphore, #tpu.memory_space<semaphore_mem>>
      %dma_start3A = arith.constant 0 : i32
      %dma_start3A_13 = arith.constant 0 : i32
      %dma_start3A_14 = tpu.memref_slice %arg2[%mul3A_2, %dma_start3A, %dma_start3A_13] : memref<2528x2x128xi32, #tpu.memory_space<hbm>> -> memref<158x2x128xi32, #tpu.memory_space<hbm>>
      %dma_start3A_15 = arith.constant 0 : i32
      %dma_start3A_16 = arith.constant 0 : i32
      %dma_start3A_17 = tpu.memref_slice %arg2[%mul3A_2, %dma_start3A_15, %dma_start3A_16] : memref<2528x2x128xi32, #tpu.memory_space<hbm>> -> memref<158x2x128xi32, #tpu.memory_space<hbm>>
      tpu.enqueue_dma source(%dma_start3A_17 : memref<158x2x128xi32, #tpu.memory_space<hbm>>) target(%arg6 : memref<158x2x128xi32, #tpu.memory_space<vmem>>) target_semaphore(%run_scoped3A : memref<!tpu.dma_semaphore, #tpu.memory_space<semaphore_mem>>)
      %dma_wait3A = arith.constant 0 : i32
      %dma_wait3A_18 = arith.constant 0 : i32
      %dma_wait3A_19 = tpu.memref_slice %arg2[%mul3A_2, %dma_wait3A, %dma_wait3A_18] : memref<2528x2x128xi32, #tpu.memory_space<hbm>> -> memref<158x2x128xi32, #tpu.memory_space<hbm>>
      %dma_wait3A_20 = arith.constant 0 : i32
      %dma_wait3A_21 = arith.constant 0 : i32
      %dma_wait3A_22 = tpu.memref_slice %arg2[%mul3A_2, %dma_wait3A_20, %dma_wait3A_21] : memref<2528x2x128xi32, #tpu.memory_space<hbm>> -> memref<158x2x128xi32, #tpu.memory_space<hbm>>
      tpu.wait_dma2 semaphore(%run_scoped3A : memref<!tpu.dma_semaphore, #tpu.memory_space<semaphore_mem>>) src(%dma_wait3A_22 : memref<158x2x128xi32, #tpu.memory_space<hbm>>) dst(%arg6 : memref<158x2x128xi32, #tpu.memory_space<vmem>>)
      tpu.yield
    }) : () -> ()
    %barrier3A = arith.constant 0 : index
    tpu.barrier barrier_id(%barrier3A)
    %scan3A = arith.constant 0 : i32
    %scan3A_3 = arith.constant 0 : i32
    %scan3A_4 = arith.constant 158 : i32
    %scan3A_5 = arith.addi %scan3A_3, %scan3A_4 : i32
    %scan3A_6 = arith.constant 1 : i32
    scf.for %scan3A_13 = %scan3A_3 to %scan3A_5 step %scan3A_6  : i32 {
      %run_scoped3A = arith.constant 1 : i32
      "tpu.region"() ({
        %run_scoped3A_14 = tpu.sem_alloc : memref<!tpu.dma_semaphore, #tpu.memory_space<semaphore_mem>>
        %dma_start3A = arith.constant 0 : i32
        %dma_start3A_15 = tpu.memref_slice %arg6[%scan3A_13, %run_scoped3A, %dma_start3A] : memref<158x2x128xi32, #tpu.memory_space<vmem>> -> memref<1x1x128xi32, #tpu.memory_space<vmem>>
        %dma_start3A_16 = tpu.memref_squeeze %dma_start3A_15 : memref<1x1x128xi32, #tpu.memory_space<vmem>> -> memref<128xi32, #tpu.memory_space<vmem>>
        %dma_start3A_17 = arith.constant 0 : i32
        %dma_start3A_18 = arith.constant 0 : i32
        %dma_start3A_19 = tpu.memref_slice %arg8[%dma_start3A_17, %dma_start3A_18] : memref<10016x8xf32, #tpu.memory_space<vmem_shared>> -> memref<10016x8xf32, #tpu.memory_space<vmem_shared>>
        tpu.enqueue_indirect_dma source(%arg7 : memref<128x8xf32, #tpu.memory_space<vmem>>) target(%dma_start3A_19 : memref<10016x8xf32, #tpu.memory_space<vmem_shared>>) offsets(%dma_start3A_16 : memref<128xi32, #tpu.memory_space<vmem>>) semaphore(%run_scoped3A_14 : memref<!tpu.dma_semaphore, #tpu.memory_space<semaphore_mem>>) {add = true}
        %dma_wait3A = arith.constant 0 : i32
        %dma_wait3A_20 = tpu.memref_slice %arg6[%scan3A_13, %run_scoped3A, %dma_wait3A] : memref<158x2x128xi32, #tpu.memory_space<vmem>> -> memref<1x1x128xi32, #tpu.memory_space<vmem>>
        %dma_wait3A_21 = tpu.memref_squeeze %dma_wait3A_20 : memref<1x1x128xi32, #tpu.memory_space<vmem>> -> memref<128xi32, #tpu.memory_space<vmem>>
        %dma_wait3A_22 = arith.constant 0 : i32
        %dma_wait3A_23 = arith.constant 0 : i32
        %dma_wait3A_24 = tpu.memref_slice %arg8[%dma_wait3A_22, %dma_wait3A_23] : memref<10016x8xf32, #tpu.memory_space<vmem_shared>> -> memref<10016x8xf32, #tpu.memory_space<vmem_shared>>
        tpu.wait_indirect_dma semaphore(%run_scoped3A_14 : memref<!tpu.dma_semaphore, #tpu.memory_space<semaphore_mem>>) src(%arg7 : memref<128x8xf32, #tpu.memory_space<vmem>>) dst(%dma_wait3A_24 : memref<10016x8xf32, #tpu.memory_space<vmem_shared>>)
        tpu.yield
      }) : () -> ()
    }
    %scan3A_7 = arith.constant 158 : i32
    %barrier3A_8 = arith.constant 0 : index
    tpu.barrier barrier_id(%barrier3A_8)
    %mul3A_9 = arith.constant 625 : i32
    %mul3A_10 = arith.muli %arg1, %mul3A_9 : i32
    %mul3A_11 = arith.constant 625 : i32
    %mul3A_12 = arith.muli %arg1, %mul3A_11 : i32
    "tpu.region"() ({
      %run_scoped3A = tpu.sem_alloc : memref<!tpu.dma_semaphore, #tpu.memory_space<semaphore_mem>>
      %dma_start3A = arith.constant 0 : i32
      %dma_start3A_13 = tpu.memref_slice %arg5[%mul3A_12, %dma_start3A] : memref<10000x8xf32, #tpu.memory_space<hbm>> -> memref<625x8xf32, #tpu.memory_space<hbm>>
      %dma_start3A_14 = arith.constant 0 : i32
      %dma_start3A_15 = tpu.memref_slice %arg8[%mul3A_10, %dma_start3A_14] : memref<10016x8xf32, #tpu.memory_space<vmem_shared>> -> memref<625x8xf32, #tpu.memory_space<vmem_shared>>
      tpu.enqueue_dma source(%dma_start3A_15 : memref<625x8xf32, #tpu.memory_space<vmem_shared>>) target(%dma_start3A_13 : memref<625x8xf32, #tpu.memory_space<hbm>>) target_semaphore(%run_scoped3A : memref<!tpu.dma_semaphore, #tpu.memory_space<semaphore_mem>>)
      %dma_wait3A = arith.constant 0 : i32
      %dma_wait3A_16 = tpu.memref_slice %arg5[%mul3A_12, %dma_wait3A] : memref<10000x8xf32, #tpu.memory_space<hbm>> -> memref<625x8xf32, #tpu.memory_space<hbm>>
      %dma_wait3A_17 = arith.constant 0 : i32
      %dma_wait3A_18 = tpu.memref_slice %arg8[%mul3A_10, %dma_wait3A_17] : memref<10016x8xf32, #tpu.memory_space<vmem_shared>> -> memref<625x8xf32, #tpu.memory_space<vmem_shared>>
      tpu.wait_dma2 semaphore(%run_scoped3A : memref<!tpu.dma_semaphore, #tpu.memory_space<semaphore_mem>>) src(%dma_wait3A_18 : memref<625x8xf32, #tpu.memory_space<vmem_shared>>) dst(%dma_wait3A_16 : memref<625x8xf32, #tpu.memory_space<hbm>>)
      tpu.yield
    }) : () -> ()
    return
  }
}

#map = affine_map<(d0, d1) -> (0, 0, 0)>
#map1 = affine_map<(d0, d1) -> (0, 0)>
module attributes {stable_mosaic.version = 14 : i64} {
  func.func @_spmm_body(%arg0: i32, %arg1: i32, %arg2: memref<2528x2x128xi32, #tpu.memory_space<hbm>>, %arg3: memref<10000x128xf32, #tpu.memory_space<hbm>>, %arg4: memref<10000x128xf32, #tpu.memory_space<hbm>>, %arg5: memref<626x128xf32, #tpu.memory_space<hbm>>, %arg6: memref<2x10000x128xf32, #tpu.memory_space<hbm>>, %arg7: memref<1x2x128xi32, #tpu.memory_space<vmem>>, %arg8: memref<1x2x128xi32, #tpu.memory_space<vmem>>, %arg9: memref<128x128xf32, #tpu.memory_space<vmem>>, %arg10: memref<128x128xf32, #tpu.memory_space<vmem>>, %arg11: memref<10016x128xf32, #tpu.memory_space<vmem_shared>>, %arg12: memref<!tpu.dma_semaphore, #tpu.memory_space<semaphore_mem>>, %arg13: memref<!tpu.dma_semaphore, #tpu.memory_space<semaphore_mem>>, %arg14: memref<!tpu.dma_semaphore, #tpu.memory_space<semaphore_mem>>, %arg15: memref<!tpu.dma_semaphore, #tpu.memory_space<semaphore_mem>>, %arg16: memref<!tpu.dma_semaphore, #tpu.memory_space<semaphore_mem>>, %arg17: memref<!tpu.dma_semaphore, #tpu.memory_space<semaphore_mem>>) attributes {dimension_semantics = [#tpu.dimension_semantics<core_parallel>, #tpu.dimension_semantics<subcore_parallel>], iteration_bounds = array<i64: 2, 16>, scalar_prefetch = 0 : i64, scratch_operands = 11 : i64, tpu.core_type = #tpu.core_type<sc_vector_subcore>, window_params = [{transform_indices = #map}, {transform_indices = #map1}, {transform_indices = #map1}, {transform_indices = #map1}, {transform_indices = #map}]} {
    %mul3A = arith.constant 626 : i32
    %mul3A_0 = arith.muli %arg1, %mul3A : i32
    "tpu.region"() ({
      %run_scoped3A = tpu.sem_alloc : memref<!tpu.dma_semaphore, #tpu.memory_space<semaphore_mem>>
      %dma_start3A = arith.constant 0 : i32
      %dma_start3A_19 = tpu.memref_slice %arg11[%mul3A_0, %dma_start3A] : memref<10016x128xf32, #tpu.memory_space<vmem_shared>> -> memref<626x128xf32, #tpu.memory_space<vmem_shared>>
      tpu.enqueue_dma source(%arg5 : memref<626x128xf32, #tpu.memory_space<hbm>>) target(%dma_start3A_19 : memref<626x128xf32, #tpu.memory_space<vmem_shared>>) target_semaphore(%run_scoped3A : memref<!tpu.dma_semaphore, #tpu.memory_space<semaphore_mem>>)
      %dma_wait3A = arith.constant 0 : i32
      %dma_wait3A_20 = tpu.memref_slice %arg11[%mul3A_0, %dma_wait3A] : memref<10016x128xf32, #tpu.memory_space<vmem_shared>> -> memref<626x128xf32, #tpu.memory_space<vmem_shared>>
      tpu.wait_dma2 semaphore(%run_scoped3A : memref<!tpu.dma_semaphore, #tpu.memory_space<semaphore_mem>>) src(%arg5 : memref<626x128xf32, #tpu.memory_space<hbm>>) dst(%dma_wait3A_20 : memref<626x128xf32, #tpu.memory_space<vmem_shared>>)
      tpu.yield
    }) : () -> ()
    %barrier3A = arith.constant 0 : index
    tpu.barrier barrier_id(%barrier3A)
    %eq3A = arith.constant 0 : i32
    %eq3A_1 = arith.cmpi eq, %arg0, %eq3A : i32
    %convert_element_type3A = arith.extui %eq3A_1 : i1 to i32
    %cond3A = arith.constant 0 : i32
    %cond3A_2 = arith.cmpi ne, %convert_element_type3A, %cond3A : i32
    scf.if %cond3A_2 {
      %mul3A_19 = arith.constant 158 : i32
      %mul3A_20 = arith.muli %arg1, %mul3A_19 : i32
      %scan3A = arith.constant 0 : i32
      %scan3A_21 = arith.constant 0 : i32
      %scan3A_22 = arith.constant 79 : i32
      %scan3A_23 = arith.addi %scan3A_21, %scan3A_22 : i32
      %scan3A_24 = arith.constant 1 : i32
      scf.for %scan3A_26 = %scan3A_21 to %scan3A_23 step %scan3A_24  : i32 {
        %mul3A_27 = arith.constant 2 : i32
        %mul3A_28 = arith.muli %mul3A_27, %scan3A_26 : i32
        %add3A = arith.addi %mul3A_20, %mul3A_28 : i32
        %dma_start3A = arith.constant 0 : i32
        %dma_start3A_29 = arith.constant 0 : i32
        %dma_start3A_30 = tpu.memref_slice %arg2[%add3A, %dma_start3A, %dma_start3A_29] : memref<2528x2x128xi32, #tpu.memory_space<hbm>> -> memref<1x2x128xi32, #tpu.memory_space<hbm>>
        %dma_start3A_31 = arith.constant 0 : i32
        %dma_start3A_32 = arith.constant 0 : i32
        %dma_start3A_33 = tpu.memref_slice %arg2[%add3A, %dma_start3A_31, %dma_start3A_32] : memref<2528x2x128xi32, #tpu.memory_space<hbm>> -> memref<1x2x128xi32, #tpu.memory_space<hbm>>
        tpu.enqueue_dma source(%dma_start3A_33 : memref<1x2x128xi32, #tpu.memory_space<hbm>>) target(%arg7 : memref<1x2x128xi32, #tpu.memory_space<vmem>>) target_semaphore(%arg12 : memref<!tpu.dma_semaphore, #tpu.memory_space<semaphore_mem>>)
        %add3A_34 = arith.constant 1 : i32
        %add3A_35 = arith.addi %add3A, %add3A_34 : i32
        %dma_start3A_36 = arith.constant 0 : i32
        %dma_start3A_37 = arith.constant 0 : i32
        %dma_start3A_38 = tpu.memref_slice %arg2[%add3A_35, %dma_start3A_36, %dma_start3A_37] : memref<2528x2x128xi32, #tpu.memory_space<hbm>> -> memref<1x2x128xi32, #tpu.memory_space<hbm>>
        %dma_start3A_39 = arith.constant 0 : i32
        %dma_start3A_40 = arith.constant 0 : i32
        %dma_start3A_41 = tpu.memref_slice %arg2[%add3A_35, %dma_start3A_39, %dma_start3A_40] : memref<2528x2x128xi32, #tpu.memory_space<hbm>> -> memref<1x2x128xi32, #tpu.memory_space<hbm>>
        tpu.enqueue_dma source(%dma_start3A_41 : memref<1x2x128xi32, #tpu.memory_space<hbm>>) target(%arg8 : memref<1x2x128xi32, #tpu.memory_space<vmem>>) target_semaphore(%arg13 : memref<!tpu.dma_semaphore, #tpu.memory_space<semaphore_mem>>)
        %dma_wait3A = arith.constant 0 : i32
        %dma_wait3A_42 = arith.constant 0 : i32
        %dma_wait3A_43 = tpu.memref_slice %arg2[%add3A, %dma_wait3A, %dma_wait3A_42] : memref<2528x2x128xi32, #tpu.memory_space<hbm>> -> memref<1x2x128xi32, #tpu.memory_space<hbm>>
        %dma_wait3A_44 = arith.constant 0 : i32
        %dma_wait3A_45 = arith.constant 0 : i32
        %dma_wait3A_46 = tpu.memref_slice %arg2[%add3A, %dma_wait3A_44, %dma_wait3A_45] : memref<2528x2x128xi32, #tpu.memory_space<hbm>> -> memref<1x2x128xi32, #tpu.memory_space<hbm>>
        tpu.wait_dma2 semaphore(%arg12 : memref<!tpu.dma_semaphore, #tpu.memory_space<semaphore_mem>>) src(%dma_wait3A_46 : memref<1x2x128xi32, #tpu.memory_space<hbm>>) dst(%arg7 : memref<1x2x128xi32, #tpu.memory_space<vmem>>)
        %dma_start3A_47 = arith.constant 0 : i32
        %dma_start3A_48 = arith.constant 0 : i32
        %dma_start3A_49 = arith.constant 0 : i32
        %dma_start3A_50 = tpu.memref_slice %arg7[%dma_start3A_47, %dma_start3A_48, %dma_start3A_49] : memref<1x2x128xi32, #tpu.memory_space<vmem>> -> memref<1x1x128xi32, #tpu.memory_space<vmem>>
        %dma_start3A_51 = tpu.memref_squeeze %dma_start3A_50 : memref<1x1x128xi32, #tpu.memory_space<vmem>> -> memref<128xi32, #tpu.memory_space<vmem>>
        %dma_start3A_52 = arith.constant 0 : i32
        %dma_start3A_53 = arith.constant 0 : i32
        %dma_start3A_54 = tpu.memref_slice %arg3[%dma_start3A_52, %dma_start3A_53] : memref<10000x128xf32, #tpu.memory_space<hbm>> -> memref<10000x128xf32, #tpu.memory_space<hbm>>
        tpu.enqueue_indirect_dma source(%dma_start3A_54 : memref<10000x128xf32, #tpu.memory_space<hbm>>) target(%arg9 : memref<128x128xf32, #tpu.memory_space<vmem>>) offsets(%dma_start3A_51 : memref<128xi32, #tpu.memory_space<vmem>>) semaphore(%arg14 : memref<!tpu.dma_semaphore, #tpu.memory_space<semaphore_mem>>)
        %dma_wait3A_55 = arith.constant 0 : i32
        %dma_wait3A_56 = arith.constant 0 : i32
        %dma_wait3A_57 = tpu.memref_slice %arg2[%add3A_35, %dma_wait3A_55, %dma_wait3A_56] : memref<2528x2x128xi32, #tpu.memory_space<hbm>> -> memref<1x2x128xi32, #tpu.memory_space<hbm>>
        %dma_wait3A_58 = arith.constant 0 : i32
        %dma_wait3A_59 = arith.constant 0 : i32
        %dma_wait3A_60 = tpu.memref_slice %arg2[%add3A_35, %dma_wait3A_58, %dma_wait3A_59] : memref<2528x2x128xi32, #tpu.memory_space<hbm>> -> memref<1x2x128xi32, #tpu.memory_space<hbm>>
        tpu.wait_dma2 semaphore(%arg13 : memref<!tpu.dma_semaphore, #tpu.memory_space<semaphore_mem>>) src(%dma_wait3A_60 : memref<1x2x128xi32, #tpu.memory_space<hbm>>) dst(%arg8 : memref<1x2x128xi32, #tpu.memory_space<vmem>>)
        %dma_start3A_61 = arith.constant 0 : i32
        %dma_start3A_62 = arith.constant 0 : i32
        %dma_start3A_63 = arith.constant 0 : i32
        %dma_start3A_64 = tpu.memref_slice %arg8[%dma_start3A_61, %dma_start3A_62, %dma_start3A_63] : memref<1x2x128xi32, #tpu.memory_space<vmem>> -> memref<1x1x128xi32, #tpu.memory_space<vmem>>
        %dma_start3A_65 = tpu.memref_squeeze %dma_start3A_64 : memref<1x1x128xi32, #tpu.memory_space<vmem>> -> memref<128xi32, #tpu.memory_space<vmem>>
        %dma_start3A_66 = arith.constant 0 : i32
        %dma_start3A_67 = arith.constant 0 : i32
        %dma_start3A_68 = tpu.memref_slice %arg3[%dma_start3A_66, %dma_start3A_67] : memref<10000x128xf32, #tpu.memory_space<hbm>> -> memref<10000x128xf32, #tpu.memory_space<hbm>>
        tpu.enqueue_indirect_dma source(%dma_start3A_68 : memref<10000x128xf32, #tpu.memory_space<hbm>>) target(%arg10 : memref<128x128xf32, #tpu.memory_space<vmem>>) offsets(%dma_start3A_65 : memref<128xi32, #tpu.memory_space<vmem>>) semaphore(%arg15 : memref<!tpu.dma_semaphore, #tpu.memory_space<semaphore_mem>>)
        %dma_wait3A_69 = arith.constant 0 : i32
        %dma_wait3A_70 = arith.constant 0 : i32
        %dma_wait3A_71 = arith.constant 0 : i32
        %dma_wait3A_72 = tpu.memref_slice %arg7[%dma_wait3A_69, %dma_wait3A_70, %dma_wait3A_71] : memref<1x2x128xi32, #tpu.memory_space<vmem>> -> memref<1x1x128xi32, #tpu.memory_space<vmem>>
        %dma_wait3A_73 = tpu.memref_squeeze %dma_wait3A_72 : memref<1x1x128xi32, #tpu.memory_space<vmem>> -> memref<128xi32, #tpu.memory_space<vmem>>
        %dma_wait3A_74 = arith.constant 0 : i32
        %dma_wait3A_75 = arith.constant 0 : i32
        %dma_wait3A_76 = tpu.memref_slice %arg3[%dma_wait3A_74, %dma_wait3A_75] : memref<10000x128xf32, #tpu.memory_space<hbm>> -> memref<10000x128xf32, #tpu.memory_space<hbm>>
        tpu.wait_indirect_dma semaphore(%arg14 : memref<!tpu.dma_semaphore, #tpu.memory_space<semaphore_mem>>) src(%dma_wait3A_76 : memref<10000x128xf32, #tpu.memory_space<hbm>>) dst(%arg9 : memref<128x128xf32, #tpu.memory_space<vmem>>)
        %dma_start3A_77 = arith.constant 0 : i32
        %dma_start3A_78 = arith.constant 1 : i32
        %dma_start3A_79 = arith.constant 0 : i32
        %dma_start3A_80 = tpu.memref_slice %arg7[%dma_start3A_77, %dma_start3A_78, %dma_start3A_79] : memref<1x2x128xi32, #tpu.memory_space<vmem>> -> memref<1x1x128xi32, #tpu.memory_space<vmem>>
        %dma_start3A_81 = tpu.memref_squeeze %dma_start3A_80 : memref<1x1x128xi32, #tpu.memory_space<vmem>> -> memref<128xi32, #tpu.memory_space<vmem>>
        %dma_start3A_82 = arith.constant 0 : i32
        %dma_start3A_83 = arith.constant 0 : i32
        %dma_start3A_84 = tpu.memref_slice %arg11[%dma_start3A_82, %dma_start3A_83] : memref<10016x128xf32, #tpu.memory_space<vmem_shared>> -> memref<10016x128xf32, #tpu.memory_space<vmem_shared>>
        tpu.enqueue_indirect_dma source(%arg9 : memref<128x128xf32, #tpu.memory_space<vmem>>) target(%dma_start3A_84 : memref<10016x128xf32, #tpu.memory_space<vmem_shared>>) offsets(%dma_start3A_81 : memref<128xi32, #tpu.memory_space<vmem>>) semaphore(%arg16 : memref<!tpu.dma_semaphore, #tpu.memory_space<semaphore_mem>>) {add = true}
        %dma_wait3A_85 = arith.constant 0 : i32
        %dma_wait3A_86 = arith.constant 0 : i32
        %dma_wait3A_87 = arith.constant 0 : i32
        %dma_wait3A_88 = tpu.memref_slice %arg8[%dma_wait3A_85, %dma_wait3A_86, %dma_wait3A_87] : memref<1x2x128xi32, #tpu.memory_space<vmem>> -> memref<1x1x128xi32, #tpu.memory_space<vmem>>
        %dma_wait3A_89 = tpu.memref_squeeze %dma_wait3A_88 : memref<1x1x128xi32, #tpu.memory_space<vmem>> -> memref<128xi32, #tpu.memory_space<vmem>>
        %dma_wait3A_90 = arith.constant 0 : i32
        %dma_wait3A_91 = arith.constant 0 : i32
        %dma_wait3A_92 = tpu.memref_slice %arg3[%dma_wait3A_90, %dma_wait3A_91] : memref<10000x128xf32, #tpu.memory_space<hbm>> -> memref<10000x128xf32, #tpu.memory_space<hbm>>
        tpu.wait_indirect_dma semaphore(%arg15 : memref<!tpu.dma_semaphore, #tpu.memory_space<semaphore_mem>>) src(%dma_wait3A_92 : memref<10000x128xf32, #tpu.memory_space<hbm>>) dst(%arg10 : memref<128x128xf32, #tpu.memory_space<vmem>>)
        %dma_start3A_93 = arith.constant 0 : i32
        %dma_start3A_94 = arith.constant 1 : i32
        %dma_start3A_95 = arith.constant 0 : i32
        %dma_start3A_96 = tpu.memref_slice %arg8[%dma_start3A_93, %dma_start3A_94, %dma_start3A_95] : memref<1x2x128xi32, #tpu.memory_space<vmem>> -> memref<1x1x128xi32, #tpu.memory_space<vmem>>
        %dma_start3A_97 = tpu.memref_squeeze %dma_start3A_96 : memref<1x1x128xi32, #tpu.memory_space<vmem>> -> memref<128xi32, #tpu.memory_space<vmem>>
        %dma_start3A_98 = arith.constant 0 : i32
        %dma_start3A_99 = arith.constant 0 : i32
        %dma_start3A_100 = tpu.memref_slice %arg11[%dma_start3A_98, %dma_start3A_99] : memref<10016x128xf32, #tpu.memory_space<vmem_shared>> -> memref<10016x128xf32, #tpu.memory_space<vmem_shared>>
        tpu.enqueue_indirect_dma source(%arg10 : memref<128x128xf32, #tpu.memory_space<vmem>>) target(%dma_start3A_100 : memref<10016x128xf32, #tpu.memory_space<vmem_shared>>) offsets(%dma_start3A_97 : memref<128xi32, #tpu.memory_space<vmem>>) semaphore(%arg17 : memref<!tpu.dma_semaphore, #tpu.memory_space<semaphore_mem>>) {add = true}
        %dma_wait3A_101 = arith.constant 0 : i32
        %dma_wait3A_102 = arith.constant 1 : i32
        %dma_wait3A_103 = arith.constant 0 : i32
        %dma_wait3A_104 = tpu.memref_slice %arg7[%dma_wait3A_101, %dma_wait3A_102, %dma_wait3A_103] : memref<1x2x128xi32, #tpu.memory_space<vmem>> -> memref<1x1x128xi32, #tpu.memory_space<vmem>>
        %dma_wait3A_105 = tpu.memref_squeeze %dma_wait3A_104 : memref<1x1x128xi32, #tpu.memory_space<vmem>> -> memref<128xi32, #tpu.memory_space<vmem>>
        %dma_wait3A_106 = arith.constant 0 : i32
        %dma_wait3A_107 = arith.constant 0 : i32
        %dma_wait3A_108 = tpu.memref_slice %arg11[%dma_wait3A_106, %dma_wait3A_107] : memref<10016x128xf32, #tpu.memory_space<vmem_shared>> -> memref<10016x128xf32, #tpu.memory_space<vmem_shared>>
        tpu.wait_indirect_dma semaphore(%arg16 : memref<!tpu.dma_semaphore, #tpu.memory_space<semaphore_mem>>) src(%arg9 : memref<128x128xf32, #tpu.memory_space<vmem>>) dst(%dma_wait3A_108 : memref<10016x128xf32, #tpu.memory_space<vmem_shared>>)
        %dma_wait3A_109 = arith.constant 0 : i32
        %dma_wait3A_110 = arith.constant 1 : i32
        %dma_wait3A_111 = arith.constant 0 : i32
        %dma_wait3A_112 = tpu.memref_slice %arg8[%dma_wait3A_109, %dma_wait3A_110, %dma_wait3A_111] : memref<1x2x128xi32, #tpu.memory_space<vmem>> -> memref<1x1x128xi32, #tpu.memory_space<vmem>>
        %dma_wait3A_113 = tpu.memref_squeeze %dma_wait3A_112 : memref<1x1x128xi32, #tpu.memory_space<vmem>> -> memref<128xi32, #tpu.memory_space<vmem>>
        %dma_wait3A_114 = arith.constant 0 : i32
        %dma_wait3A_115 = arith.constant 0 : i32
        %dma_wait3A_116 = tpu.memref_slice %arg11[%dma_wait3A_114, %dma_wait3A_115] : memref<10016x128xf32, #tpu.memory_space<vmem_shared>> -> memref<10016x128xf32, #tpu.memory_space<vmem_shared>>
        tpu.wait_indirect_dma semaphore(%arg17 : memref<!tpu.dma_semaphore, #tpu.memory_space<semaphore_mem>>) src(%arg10 : memref<128x128xf32, #tpu.memory_space<vmem>>) dst(%dma_wait3A_116 : memref<10016x128xf32, #tpu.memory_space<vmem_shared>>)
      }
      %scan3A_25 = arith.constant 79 : i32
    } else {
    }
    %eq3A_3 = arith.constant 1 : i32
    %eq3A_4 = arith.cmpi eq, %arg0, %eq3A_3 : i32
    %convert_element_type3A_5 = arith.extui %eq3A_4 : i1 to i32
    %cond3A_6 = arith.constant 0 : i32
    %cond3A_7 = arith.cmpi ne, %convert_element_type3A_5, %cond3A_6 : i32
    scf.if %cond3A_7 {
      %mul3A_19 = arith.constant 158 : i32
      %mul3A_20 = arith.muli %arg1, %mul3A_19 : i32
      %scan3A = arith.constant 0 : i32
      %scan3A_21 = arith.constant 0 : i32
      %scan3A_22 = arith.constant 79 : i32
      %scan3A_23 = arith.addi %scan3A_21, %scan3A_22 : i32
      %scan3A_24 = arith.constant 1 : i32
      scf.for %scan3A_26 = %scan3A_21 to %scan3A_23 step %scan3A_24  : i32 {
        %mul3A_27 = arith.constant 2 : i32
        %mul3A_28 = arith.muli %mul3A_27, %scan3A_26 : i32
        %add3A = arith.addi %mul3A_20, %mul3A_28 : i32
        %dma_start3A = arith.constant 0 : i32
        %dma_start3A_29 = arith.constant 0 : i32
        %dma_start3A_30 = tpu.memref_slice %arg2[%add3A, %dma_start3A, %dma_start3A_29] : memref<2528x2x128xi32, #tpu.memory_space<hbm>> -> memref<1x2x128xi32, #tpu.memory_space<hbm>>
        %dma_start3A_31 = arith.constant 0 : i32
        %dma_start3A_32 = arith.constant 0 : i32
        %dma_start3A_33 = tpu.memref_slice %arg2[%add3A, %dma_start3A_31, %dma_start3A_32] : memref<2528x2x128xi32, #tpu.memory_space<hbm>> -> memref<1x2x128xi32, #tpu.memory_space<hbm>>
        tpu.enqueue_dma source(%dma_start3A_33 : memref<1x2x128xi32, #tpu.memory_space<hbm>>) target(%arg7 : memref<1x2x128xi32, #tpu.memory_space<vmem>>) target_semaphore(%arg12 : memref<!tpu.dma_semaphore, #tpu.memory_space<semaphore_mem>>)
        %add3A_34 = arith.constant 1 : i32
        %add3A_35 = arith.addi %add3A, %add3A_34 : i32
        %dma_start3A_36 = arith.constant 0 : i32
        %dma_start3A_37 = arith.constant 0 : i32
        %dma_start3A_38 = tpu.memref_slice %arg2[%add3A_35, %dma_start3A_36, %dma_start3A_37] : memref<2528x2x128xi32, #tpu.memory_space<hbm>> -> memref<1x2x128xi32, #tpu.memory_space<hbm>>
        %dma_start3A_39 = arith.constant 0 : i32
        %dma_start3A_40 = arith.constant 0 : i32
        %dma_start3A_41 = tpu.memref_slice %arg2[%add3A_35, %dma_start3A_39, %dma_start3A_40] : memref<2528x2x128xi32, #tpu.memory_space<hbm>> -> memref<1x2x128xi32, #tpu.memory_space<hbm>>
        tpu.enqueue_dma source(%dma_start3A_41 : memref<1x2x128xi32, #tpu.memory_space<hbm>>) target(%arg8 : memref<1x2x128xi32, #tpu.memory_space<vmem>>) target_semaphore(%arg13 : memref<!tpu.dma_semaphore, #tpu.memory_space<semaphore_mem>>)
        %dma_wait3A = arith.constant 0 : i32
        %dma_wait3A_42 = arith.constant 0 : i32
        %dma_wait3A_43 = tpu.memref_slice %arg2[%add3A, %dma_wait3A, %dma_wait3A_42] : memref<2528x2x128xi32, #tpu.memory_space<hbm>> -> memref<1x2x128xi32, #tpu.memory_space<hbm>>
        %dma_wait3A_44 = arith.constant 0 : i32
        %dma_wait3A_45 = arith.constant 0 : i32
        %dma_wait3A_46 = tpu.memref_slice %arg2[%add3A, %dma_wait3A_44, %dma_wait3A_45] : memref<2528x2x128xi32, #tpu.memory_space<hbm>> -> memref<1x2x128xi32, #tpu.memory_space<hbm>>
        tpu.wait_dma2 semaphore(%arg12 : memref<!tpu.dma_semaphore, #tpu.memory_space<semaphore_mem>>) src(%dma_wait3A_46 : memref<1x2x128xi32, #tpu.memory_space<hbm>>) dst(%arg7 : memref<1x2x128xi32, #tpu.memory_space<vmem>>)
        %dma_start3A_47 = arith.constant 0 : i32
        %dma_start3A_48 = arith.constant 0 : i32
        %dma_start3A_49 = arith.constant 0 : i32
        %dma_start3A_50 = tpu.memref_slice %arg7[%dma_start3A_47, %dma_start3A_48, %dma_start3A_49] : memref<1x2x128xi32, #tpu.memory_space<vmem>> -> memref<1x1x128xi32, #tpu.memory_space<vmem>>
        %dma_start3A_51 = tpu.memref_squeeze %dma_start3A_50 : memref<1x1x128xi32, #tpu.memory_space<vmem>> -> memref<128xi32, #tpu.memory_space<vmem>>
        %dma_start3A_52 = arith.constant 0 : i32
        %dma_start3A_53 = arith.constant 0 : i32
        %dma_start3A_54 = tpu.memref_slice %arg4[%dma_start3A_52, %dma_start3A_53] : memref<10000x128xf32, #tpu.memory_space<hbm>> -> memref<10000x128xf32, #tpu.memory_space<hbm>>
        tpu.enqueue_indirect_dma source(%dma_start3A_54 : memref<10000x128xf32, #tpu.memory_space<hbm>>) target(%arg9 : memref<128x128xf32, #tpu.memory_space<vmem>>) offsets(%dma_start3A_51 : memref<128xi32, #tpu.memory_space<vmem>>) semaphore(%arg14 : memref<!tpu.dma_semaphore, #tpu.memory_space<semaphore_mem>>)
        %dma_wait3A_55 = arith.constant 0 : i32
        %dma_wait3A_56 = arith.constant 0 : i32
        %dma_wait3A_57 = tpu.memref_slice %arg2[%add3A_35, %dma_wait3A_55, %dma_wait3A_56] : memref<2528x2x128xi32, #tpu.memory_space<hbm>> -> memref<1x2x128xi32, #tpu.memory_space<hbm>>
        %dma_wait3A_58 = arith.constant 0 : i32
        %dma_wait3A_59 = arith.constant 0 : i32
        %dma_wait3A_60 = tpu.memref_slice %arg2[%add3A_35, %dma_wait3A_58, %dma_wait3A_59] : memref<2528x2x128xi32, #tpu.memory_space<hbm>> -> memref<1x2x128xi32, #tpu.memory_space<hbm>>
        tpu.wait_dma2 semaphore(%arg13 : memref<!tpu.dma_semaphore, #tpu.memory_space<semaphore_mem>>) src(%dma_wait3A_60 : memref<1x2x128xi32, #tpu.memory_space<hbm>>) dst(%arg8 : memref<1x2x128xi32, #tpu.memory_space<vmem>>)
        %dma_start3A_61 = arith.constant 0 : i32
        %dma_start3A_62 = arith.constant 0 : i32
        %dma_start3A_63 = arith.constant 0 : i32
        %dma_start3A_64 = tpu.memref_slice %arg8[%dma_start3A_61, %dma_start3A_62, %dma_start3A_63] : memref<1x2x128xi32, #tpu.memory_space<vmem>> -> memref<1x1x128xi32, #tpu.memory_space<vmem>>
        %dma_start3A_65 = tpu.memref_squeeze %dma_start3A_64 : memref<1x1x128xi32, #tpu.memory_space<vmem>> -> memref<128xi32, #tpu.memory_space<vmem>>
        %dma_start3A_66 = arith.constant 0 : i32
        %dma_start3A_67 = arith.constant 0 : i32
        %dma_start3A_68 = tpu.memref_slice %arg4[%dma_start3A_66, %dma_start3A_67] : memref<10000x128xf32, #tpu.memory_space<hbm>> -> memref<10000x128xf32, #tpu.memory_space<hbm>>
        tpu.enqueue_indirect_dma source(%dma_start3A_68 : memref<10000x128xf32, #tpu.memory_space<hbm>>) target(%arg10 : memref<128x128xf32, #tpu.memory_space<vmem>>) offsets(%dma_start3A_65 : memref<128xi32, #tpu.memory_space<vmem>>) semaphore(%arg15 : memref<!tpu.dma_semaphore, #tpu.memory_space<semaphore_mem>>)
        %dma_wait3A_69 = arith.constant 0 : i32
        %dma_wait3A_70 = arith.constant 0 : i32
        %dma_wait3A_71 = arith.constant 0 : i32
        %dma_wait3A_72 = tpu.memref_slice %arg7[%dma_wait3A_69, %dma_wait3A_70, %dma_wait3A_71] : memref<1x2x128xi32, #tpu.memory_space<vmem>> -> memref<1x1x128xi32, #tpu.memory_space<vmem>>
        %dma_wait3A_73 = tpu.memref_squeeze %dma_wait3A_72 : memref<1x1x128xi32, #tpu.memory_space<vmem>> -> memref<128xi32, #tpu.memory_space<vmem>>
        %dma_wait3A_74 = arith.constant 0 : i32
        %dma_wait3A_75 = arith.constant 0 : i32
        %dma_wait3A_76 = tpu.memref_slice %arg4[%dma_wait3A_74, %dma_wait3A_75] : memref<10000x128xf32, #tpu.memory_space<hbm>> -> memref<10000x128xf32, #tpu.memory_space<hbm>>
        tpu.wait_indirect_dma semaphore(%arg14 : memref<!tpu.dma_semaphore, #tpu.memory_space<semaphore_mem>>) src(%dma_wait3A_76 : memref<10000x128xf32, #tpu.memory_space<hbm>>) dst(%arg9 : memref<128x128xf32, #tpu.memory_space<vmem>>)
        %dma_start3A_77 = arith.constant 0 : i32
        %dma_start3A_78 = arith.constant 1 : i32
        %dma_start3A_79 = arith.constant 0 : i32
        %dma_start3A_80 = tpu.memref_slice %arg7[%dma_start3A_77, %dma_start3A_78, %dma_start3A_79] : memref<1x2x128xi32, #tpu.memory_space<vmem>> -> memref<1x1x128xi32, #tpu.memory_space<vmem>>
        %dma_start3A_81 = tpu.memref_squeeze %dma_start3A_80 : memref<1x1x128xi32, #tpu.memory_space<vmem>> -> memref<128xi32, #tpu.memory_space<vmem>>
        %dma_start3A_82 = arith.constant 0 : i32
        %dma_start3A_83 = arith.constant 0 : i32
        %dma_start3A_84 = tpu.memref_slice %arg11[%dma_start3A_82, %dma_start3A_83] : memref<10016x128xf32, #tpu.memory_space<vmem_shared>> -> memref<10016x128xf32, #tpu.memory_space<vmem_shared>>
        tpu.enqueue_indirect_dma source(%arg9 : memref<128x128xf32, #tpu.memory_space<vmem>>) target(%dma_start3A_84 : memref<10016x128xf32, #tpu.memory_space<vmem_shared>>) offsets(%dma_start3A_81 : memref<128xi32, #tpu.memory_space<vmem>>) semaphore(%arg16 : memref<!tpu.dma_semaphore, #tpu.memory_space<semaphore_mem>>) {add = true}
        %dma_wait3A_85 = arith.constant 0 : i32
        %dma_wait3A_86 = arith.constant 0 : i32
        %dma_wait3A_87 = arith.constant 0 : i32
        %dma_wait3A_88 = tpu.memref_slice %arg8[%dma_wait3A_85, %dma_wait3A_86, %dma_wait3A_87] : memref<1x2x128xi32, #tpu.memory_space<vmem>> -> memref<1x1x128xi32, #tpu.memory_space<vmem>>
        %dma_wait3A_89 = tpu.memref_squeeze %dma_wait3A_88 : memref<1x1x128xi32, #tpu.memory_space<vmem>> -> memref<128xi32, #tpu.memory_space<vmem>>
        %dma_wait3A_90 = arith.constant 0 : i32
        %dma_wait3A_91 = arith.constant 0 : i32
        %dma_wait3A_92 = tpu.memref_slice %arg4[%dma_wait3A_90, %dma_wait3A_91] : memref<10000x128xf32, #tpu.memory_space<hbm>> -> memref<10000x128xf32, #tpu.memory_space<hbm>>
        tpu.wait_indirect_dma semaphore(%arg15 : memref<!tpu.dma_semaphore, #tpu.memory_space<semaphore_mem>>) src(%dma_wait3A_92 : memref<10000x128xf32, #tpu.memory_space<hbm>>) dst(%arg10 : memref<128x128xf32, #tpu.memory_space<vmem>>)
        %dma_start3A_93 = arith.constant 0 : i32
        %dma_start3A_94 = arith.constant 1 : i32
        %dma_start3A_95 = arith.constant 0 : i32
        %dma_start3A_96 = tpu.memref_slice %arg8[%dma_start3A_93, %dma_start3A_94, %dma_start3A_95] : memref<1x2x128xi32, #tpu.memory_space<vmem>> -> memref<1x1x128xi32, #tpu.memory_space<vmem>>
        %dma_start3A_97 = tpu.memref_squeeze %dma_start3A_96 : memref<1x1x128xi32, #tpu.memory_space<vmem>> -> memref<128xi32, #tpu.memory_space<vmem>>
        %dma_start3A_98 = arith.constant 0 : i32
        %dma_start3A_99 = arith.constant 0 : i32
        %dma_start3A_100 = tpu.memref_slice %arg11[%dma_start3A_98, %dma_start3A_99] : memref<10016x128xf32, #tpu.memory_space<vmem_shared>> -> memref<10016x128xf32, #tpu.memory_space<vmem_shared>>
        tpu.enqueue_indirect_dma source(%arg10 : memref<128x128xf32, #tpu.memory_space<vmem>>) target(%dma_start3A_100 : memref<10016x128xf32, #tpu.memory_space<vmem_shared>>) offsets(%dma_start3A_97 : memref<128xi32, #tpu.memory_space<vmem>>) semaphore(%arg17 : memref<!tpu.dma_semaphore, #tpu.memory_space<semaphore_mem>>) {add = true}
        %dma_wait3A_101 = arith.constant 0 : i32
        %dma_wait3A_102 = arith.constant 1 : i32
        %dma_wait3A_103 = arith.constant 0 : i32
        %dma_wait3A_104 = tpu.memref_slice %arg7[%dma_wait3A_101, %dma_wait3A_102, %dma_wait3A_103] : memref<1x2x128xi32, #tpu.memory_space<vmem>> -> memref<1x1x128xi32, #tpu.memory_space<vmem>>
        %dma_wait3A_105 = tpu.memref_squeeze %dma_wait3A_104 : memref<1x1x128xi32, #tpu.memory_space<vmem>> -> memref<128xi32, #tpu.memory_space<vmem>>
        %dma_wait3A_106 = arith.constant 0 : i32
        %dma_wait3A_107 = arith.constant 0 : i32
        %dma_wait3A_108 = tpu.memref_slice %arg11[%dma_wait3A_106, %dma_wait3A_107] : memref<10016x128xf32, #tpu.memory_space<vmem_shared>> -> memref<10016x128xf32, #tpu.memory_space<vmem_shared>>
        tpu.wait_indirect_dma semaphore(%arg16 : memref<!tpu.dma_semaphore, #tpu.memory_space<semaphore_mem>>) src(%arg9 : memref<128x128xf32, #tpu.memory_space<vmem>>) dst(%dma_wait3A_108 : memref<10016x128xf32, #tpu.memory_space<vmem_shared>>)
        %dma_wait3A_109 = arith.constant 0 : i32
        %dma_wait3A_110 = arith.constant 1 : i32
        %dma_wait3A_111 = arith.constant 0 : i32
        %dma_wait3A_112 = tpu.memref_slice %arg8[%dma_wait3A_109, %dma_wait3A_110, %dma_wait3A_111] : memref<1x2x128xi32, #tpu.memory_space<vmem>> -> memref<1x1x128xi32, #tpu.memory_space<vmem>>
        %dma_wait3A_113 = tpu.memref_squeeze %dma_wait3A_112 : memref<1x1x128xi32, #tpu.memory_space<vmem>> -> memref<128xi32, #tpu.memory_space<vmem>>
        %dma_wait3A_114 = arith.constant 0 : i32
        %dma_wait3A_115 = arith.constant 0 : i32
        %dma_wait3A_116 = tpu.memref_slice %arg11[%dma_wait3A_114, %dma_wait3A_115] : memref<10016x128xf32, #tpu.memory_space<vmem_shared>> -> memref<10016x128xf32, #tpu.memory_space<vmem_shared>>
        tpu.wait_indirect_dma semaphore(%arg17 : memref<!tpu.dma_semaphore, #tpu.memory_space<semaphore_mem>>) src(%arg10 : memref<128x128xf32, #tpu.memory_space<vmem>>) dst(%dma_wait3A_116 : memref<10016x128xf32, #tpu.memory_space<vmem_shared>>)
      }
      %scan3A_25 = arith.constant 79 : i32
    } else {
    }
    %barrier3A_8 = arith.constant 0 : index
    tpu.barrier barrier_id(%barrier3A_8)
    %eq3A_9 = arith.constant 0 : i32
    %eq3A_10 = arith.cmpi eq, %arg0, %eq3A_9 : i32
    %convert_element_type3A_11 = arith.extui %eq3A_10 : i1 to i32
    %cond3A_12 = arith.constant 0 : i32
    %cond3A_13 = arith.cmpi ne, %convert_element_type3A_11, %cond3A_12 : i32
    scf.if %cond3A_13 {
      %mul3A_19 = arith.constant 625 : i32
      %mul3A_20 = arith.muli %arg1, %mul3A_19 : i32
      %mul3A_21 = arith.constant 625 : i32
      %mul3A_22 = arith.muli %arg1, %mul3A_21 : i32
      %run_scoped3A = arith.constant 0 : i32
      "tpu.region"() ({
        %run_scoped3A_23 = tpu.sem_alloc : memref<!tpu.dma_semaphore, #tpu.memory_space<semaphore_mem>>
        %dma_start3A = arith.constant 0 : i32
        %dma_start3A_24 = tpu.memref_slice %arg6[%run_scoped3A, %mul3A_22, %dma_start3A] : memref<2x10000x128xf32, #tpu.memory_space<hbm>> -> memref<1x625x128xf32, #tpu.memory_space<hbm>>
        %dma_start3A_25 = tpu.memref_squeeze %dma_start3A_24 : memref<1x625x128xf32, #tpu.memory_space<hbm>> -> memref<625x128xf32, #tpu.memory_space<hbm>>
        %dma_start3A_26 = arith.constant 0 : i32
        %dma_start3A_27 = tpu.memref_slice %arg11[%mul3A_20, %dma_start3A_26] : memref<10016x128xf32, #tpu.memory_space<vmem_shared>> -> memref<625x128xf32, #tpu.memory_space<vmem_shared>>
        tpu.enqueue_dma source(%dma_start3A_27 : memref<625x128xf32, #tpu.memory_space<vmem_shared>>) target(%dma_start3A_25 : memref<625x128xf32, #tpu.memory_space<hbm>>) target_semaphore(%run_scoped3A_23 : memref<!tpu.dma_semaphore, #tpu.memory_space<semaphore_mem>>)
        %dma_wait3A = arith.constant 0 : i32
        %dma_wait3A_28 = tpu.memref_slice %arg6[%run_scoped3A, %mul3A_22, %dma_wait3A] : memref<2x10000x128xf32, #tpu.memory_space<hbm>> -> memref<1x625x128xf32, #tpu.memory_space<hbm>>
        %dma_wait3A_29 = tpu.memref_squeeze %dma_wait3A_28 : memref<1x625x128xf32, #tpu.memory_space<hbm>> -> memref<625x128xf32, #tpu.memory_space<hbm>>
        %dma_wait3A_30 = arith.constant 0 : i32
        %dma_wait3A_31 = tpu.memref_slice %arg11[%mul3A_20, %dma_wait3A_30] : memref<10016x128xf32, #tpu.memory_space<vmem_shared>> -> memref<625x128xf32, #tpu.memory_space<vmem_shared>>
        tpu.wait_dma2 semaphore(%run_scoped3A_23 : memref<!tpu.dma_semaphore, #tpu.memory_space<semaphore_mem>>) src(%dma_wait3A_31 : memref<625x128xf32, #tpu.memory_space<vmem_shared>>) dst(%dma_wait3A_29 : memref<625x128xf32, #tpu.memory_space<hbm>>)
        tpu.yield
      }) : () -> ()
    } else {
    }
    %eq3A_14 = arith.constant 1 : i32
    %eq3A_15 = arith.cmpi eq, %arg0, %eq3A_14 : i32
    %convert_element_type3A_16 = arith.extui %eq3A_15 : i1 to i32
    %cond3A_17 = arith.constant 0 : i32
    %cond3A_18 = arith.cmpi ne, %convert_element_type3A_16, %cond3A_17 : i32
    scf.if %cond3A_18 {
      %mul3A_19 = arith.constant 625 : i32
      %mul3A_20 = arith.muli %arg1, %mul3A_19 : i32
      %mul3A_21 = arith.constant 625 : i32
      %mul3A_22 = arith.muli %arg1, %mul3A_21 : i32
      %run_scoped3A = arith.constant 1 : i32
      "tpu.region"() ({
        %run_scoped3A_23 = tpu.sem_alloc : memref<!tpu.dma_semaphore, #tpu.memory_space<semaphore_mem>>
        %dma_start3A = arith.constant 0 : i32
        %dma_start3A_24 = tpu.memref_slice %arg6[%run_scoped3A, %mul3A_22, %dma_start3A] : memref<2x10000x128xf32, #tpu.memory_space<hbm>> -> memref<1x625x128xf32, #tpu.memory_space<hbm>>
        %dma_start3A_25 = tpu.memref_squeeze %dma_start3A_24 : memref<1x625x128xf32, #tpu.memory_space<hbm>> -> memref<625x128xf32, #tpu.memory_space<hbm>>
        %dma_start3A_26 = arith.constant 0 : i32
        %dma_start3A_27 = tpu.memref_slice %arg11[%mul3A_20, %dma_start3A_26] : memref<10016x128xf32, #tpu.memory_space<vmem_shared>> -> memref<625x128xf32, #tpu.memory_space<vmem_shared>>
        tpu.enqueue_dma source(%dma_start3A_27 : memref<625x128xf32, #tpu.memory_space<vmem_shared>>) target(%dma_start3A_25 : memref<625x128xf32, #tpu.memory_space<hbm>>) target_semaphore(%run_scoped3A_23 : memref<!tpu.dma_semaphore, #tpu.memory_space<semaphore_mem>>)
        %dma_wait3A = arith.constant 0 : i32
        %dma_wait3A_28 = tpu.memref_slice %arg6[%run_scoped3A, %mul3A_22, %dma_wait3A] : memref<2x10000x128xf32, #tpu.memory_space<hbm>> -> memref<1x625x128xf32, #tpu.memory_space<hbm>>
        %dma_wait3A_29 = tpu.memref_squeeze %dma_wait3A_28 : memref<1x625x128xf32, #tpu.memory_space<hbm>> -> memref<625x128xf32, #tpu.memory_space<hbm>>
        %dma_wait3A_30 = arith.constant 0 : i32
        %dma_wait3A_31 = tpu.memref_slice %arg11[%mul3A_20, %dma_wait3A_30] : memref<10016x128xf32, #tpu.memory_space<vmem_shared>> -> memref<625x128xf32, #tpu.memory_space<vmem_shared>>
        tpu.wait_dma2 semaphore(%run_scoped3A_23 : memref<!tpu.dma_semaphore, #tpu.memory_space<semaphore_mem>>) src(%dma_wait3A_31 : memref<625x128xf32, #tpu.memory_space<vmem_shared>>) dst(%dma_wait3A_29 : memref<625x128xf32, #tpu.memory_space<hbm>>)
        tpu.yield
      }) : () -> ()
    } else {
    }
    return
  }
}

#map = affine_map<(d0, d1) -> (0, 0, 0)>
#map1 = affine_map<(d0, d1) -> (0, 0)>
module attributes {stable_mosaic.version = 14 : i64} {
  func.func @_spmm_body(%arg0: i32, %arg1: i32, %arg2: memref<2528x2x128xi32, #tpu.memory_space<hbm>>, %arg3: memref<10000x128xf32, #tpu.memory_space<hbm>>, %arg4: memref<10000x128xf32, #tpu.memory_space<hbm>>, %arg5: memref<626x128xf32, #tpu.memory_space<hbm>>, %arg6: memref<2x10000x128xf32, #tpu.memory_space<hbm>>, %arg7: memref<1x2x128xi32, #tpu.memory_space<vmem>>, %arg8: memref<1x2x128xi32, #tpu.memory_space<vmem>>, %arg9: memref<128x128xf32, #tpu.memory_space<vmem>>, %arg10: memref<128x128xf32, #tpu.memory_space<vmem>>, %arg11: memref<10016x128xf32, #tpu.memory_space<vmem_shared>>, %arg12: memref<!tpu.dma_semaphore, #tpu.memory_space<semaphore_mem>>, %arg13: memref<!tpu.dma_semaphore, #tpu.memory_space<semaphore_mem>>, %arg14: memref<!tpu.dma_semaphore, #tpu.memory_space<semaphore_mem>>, %arg15: memref<!tpu.dma_semaphore, #tpu.memory_space<semaphore_mem>>, %arg16: memref<!tpu.dma_semaphore, #tpu.memory_space<semaphore_mem>>, %arg17: memref<!tpu.dma_semaphore, #tpu.memory_space<semaphore_mem>>) attributes {dimension_semantics = [#tpu.dimension_semantics<core_parallel>, #tpu.dimension_semantics<subcore_parallel>], iteration_bounds = array<i64: 2, 16>, scalar_prefetch = 0 : i64, scratch_operands = 11 : i64, tpu.core_type = #tpu.core_type<sc_vector_subcore>, window_params = [{transform_indices = #map}, {transform_indices = #map1}, {transform_indices = #map1}, {transform_indices = #map1}, {transform_indices = #map}]} {
    %mul3A = arith.constant 626 : i32
    %mul3A_0 = arith.muli %arg1, %mul3A : i32
    "tpu.region"() ({
      %run_scoped3A = tpu.sem_alloc : memref<!tpu.dma_semaphore, #tpu.memory_space<semaphore_mem>>
      %dma_start3A = arith.constant 0 : i32
      %dma_start3A_19 = tpu.memref_slice %arg11[%mul3A_0, %dma_start3A] : memref<10016x128xf32, #tpu.memory_space<vmem_shared>> -> memref<626x128xf32, #tpu.memory_space<vmem_shared>>
      tpu.enqueue_dma source(%arg5 : memref<626x128xf32, #tpu.memory_space<hbm>>) target(%dma_start3A_19 : memref<626x128xf32, #tpu.memory_space<vmem_shared>>) target_semaphore(%run_scoped3A : memref<!tpu.dma_semaphore, #tpu.memory_space<semaphore_mem>>)
      %dma_wait3A = arith.constant 0 : i32
      %dma_wait3A_20 = tpu.memref_slice %arg11[%mul3A_0, %dma_wait3A] : memref<10016x128xf32, #tpu.memory_space<vmem_shared>> -> memref<626x128xf32, #tpu.memory_space<vmem_shared>>
      tpu.wait_dma2 semaphore(%run_scoped3A : memref<!tpu.dma_semaphore, #tpu.memory_space<semaphore_mem>>) src(%arg5 : memref<626x128xf32, #tpu.memory_space<hbm>>) dst(%dma_wait3A_20 : memref<626x128xf32, #tpu.memory_space<vmem_shared>>)
      tpu.yield
    }) : () -> ()
    %barrier3A = arith.constant 0 : index
    tpu.barrier barrier_id(%barrier3A)
    %eq3A = arith.constant 0 : i32
    %eq3A_1 = arith.cmpi eq, %arg0, %eq3A : i32
    %convert_element_type3A = arith.extui %eq3A_1 : i1 to i32
    %cond3A = arith.constant 0 : i32
    %cond3A_2 = arith.cmpi ne, %convert_element_type3A, %cond3A : i32
    scf.if %cond3A_2 {
      %mul3A_19 = arith.constant 158 : i32
      %mul3A_20 = arith.muli %arg1, %mul3A_19 : i32
      %scan3A = arith.constant 0 : i32
      %scan3A_21 = arith.constant 0 : i32
      %scan3A_22 = arith.constant 79 : i32
      %scan3A_23 = arith.addi %scan3A_21, %scan3A_22 : i32
      %scan3A_24 = arith.constant 1 : i32
      scf.for %scan3A_26 = %scan3A_21 to %scan3A_23 step %scan3A_24  : i32 {
        %mul3A_27 = arith.constant 2 : i32
        %mul3A_28 = arith.muli %mul3A_27, %scan3A_26 : i32
        %add3A = arith.addi %mul3A_20, %mul3A_28 : i32
        %dma_start3A = arith.constant 0 : i32
        %dma_start3A_29 = arith.constant 0 : i32
        %dma_start3A_30 = tpu.memref_slice %arg2[%add3A, %dma_start3A, %dma_start3A_29] : memref<2528x2x128xi32, #tpu.memory_space<hbm>> -> memref<1x2x128xi32, #tpu.memory_space<hbm>>
        %dma_start3A_31 = arith.constant 0 : i32
        %dma_start3A_32 = arith.constant 0 : i32
        %dma_start3A_33 = tpu.memref_slice %arg2[%add3A, %dma_start3A_31, %dma_start3A_32] : memref<2528x2x128xi32, #tpu.memory_space<hbm>> -> memref<1x2x128xi32, #tpu.memory_space<hbm>>
        tpu.enqueue_dma source(%dma_start3A_33 : memref<1x2x128xi32, #tpu.memory_space<hbm>>) target(%arg7 : memref<1x2x128xi32, #tpu.memory_space<vmem>>) target_semaphore(%arg12 : memref<!tpu.dma_semaphore, #tpu.memory_space<semaphore_mem>>)
        %add3A_34 = arith.constant 1 : i32
        %add3A_35 = arith.addi %add3A, %add3A_34 : i32
        %dma_start3A_36 = arith.constant 0 : i32
        %dma_start3A_37 = arith.constant 0 : i32
        %dma_start3A_38 = tpu.memref_slice %arg2[%add3A_35, %dma_start3A_36, %dma_start3A_37] : memref<2528x2x128xi32, #tpu.memory_space<hbm>> -> memref<1x2x128xi32, #tpu.memory_space<hbm>>
        %dma_start3A_39 = arith.constant 0 : i32
        %dma_start3A_40 = arith.constant 0 : i32
        %dma_start3A_41 = tpu.memref_slice %arg2[%add3A_35, %dma_start3A_39, %dma_start3A_40] : memref<2528x2x128xi32, #tpu.memory_space<hbm>> -> memref<1x2x128xi32, #tpu.memory_space<hbm>>
        tpu.enqueue_dma source(%dma_start3A_41 : memref<1x2x128xi32, #tpu.memory_space<hbm>>) target(%arg8 : memref<1x2x128xi32, #tpu.memory_space<vmem>>) target_semaphore(%arg13 : memref<!tpu.dma_semaphore, #tpu.memory_space<semaphore_mem>>)
        %dma_wait3A = arith.constant 0 : i32
        %dma_wait3A_42 = arith.constant 0 : i32
        %dma_wait3A_43 = tpu.memref_slice %arg2[%add3A, %dma_wait3A, %dma_wait3A_42] : memref<2528x2x128xi32, #tpu.memory_space<hbm>> -> memref<1x2x128xi32, #tpu.memory_space<hbm>>
        %dma_wait3A_44 = arith.constant 0 : i32
        %dma_wait3A_45 = arith.constant 0 : i32
        %dma_wait3A_46 = tpu.memref_slice %arg2[%add3A, %dma_wait3A_44, %dma_wait3A_45] : memref<2528x2x128xi32, #tpu.memory_space<hbm>> -> memref<1x2x128xi32, #tpu.memory_space<hbm>>
        tpu.wait_dma2 semaphore(%arg12 : memref<!tpu.dma_semaphore, #tpu.memory_space<semaphore_mem>>) src(%dma_wait3A_46 : memref<1x2x128xi32, #tpu.memory_space<hbm>>) dst(%arg7 : memref<1x2x128xi32, #tpu.memory_space<vmem>>)
        %dma_start3A_47 = arith.constant 0 : i32
        %dma_start3A_48 = arith.constant 0 : i32
        %dma_start3A_49 = arith.constant 0 : i32
        %dma_start3A_50 = tpu.memref_slice %arg7[%dma_start3A_47, %dma_start3A_48, %dma_start3A_49] : memref<1x2x128xi32, #tpu.memory_space<vmem>> -> memref<1x1x128xi32, #tpu.memory_space<vmem>>
        %dma_start3A_51 = tpu.memref_squeeze %dma_start3A_50 : memref<1x1x128xi32, #tpu.memory_space<vmem>> -> memref<128xi32, #tpu.memory_space<vmem>>
        %dma_start3A_52 = arith.constant 0 : i32
        %dma_start3A_53 = arith.constant 0 : i32
        %dma_start3A_54 = tpu.memref_slice %arg3[%dma_start3A_52, %dma_start3A_53] : memref<10000x128xf32, #tpu.memory_space<hbm>> -> memref<10000x128xf32, #tpu.memory_space<hbm>>
        tpu.enqueue_indirect_dma source(%dma_start3A_54 : memref<10000x128xf32, #tpu.memory_space<hbm>>) target(%arg9 : memref<128x128xf32, #tpu.memory_space<vmem>>) offsets(%dma_start3A_51 : memref<128xi32, #tpu.memory_space<vmem>>) semaphore(%arg14 : memref<!tpu.dma_semaphore, #tpu.memory_space<semaphore_mem>>)
        %dma_wait3A_55 = arith.constant 0 : i32
        %dma_wait3A_56 = arith.constant 0 : i32
        %dma_wait3A_57 = tpu.memref_slice %arg2[%add3A_35, %dma_wait3A_55, %dma_wait3A_56] : memref<2528x2x128xi32, #tpu.memory_space<hbm>> -> memref<1x2x128xi32, #tpu.memory_space<hbm>>
        %dma_wait3A_58 = arith.constant 0 : i32
        %dma_wait3A_59 = arith.constant 0 : i32
        %dma_wait3A_60 = tpu.memref_slice %arg2[%add3A_35, %dma_wait3A_58, %dma_wait3A_59] : memref<2528x2x128xi32, #tpu.memory_space<hbm>> -> memref<1x2x128xi32, #tpu.memory_space<hbm>>
        tpu.wait_dma2 semaphore(%arg13 : memref<!tpu.dma_semaphore, #tpu.memory_space<semaphore_mem>>) src(%dma_wait3A_60 : memref<1x2x128xi32, #tpu.memory_space<hbm>>) dst(%arg8 : memref<1x2x128xi32, #tpu.memory_space<vmem>>)
        %dma_start3A_61 = arith.constant 0 : i32
        %dma_start3A_62 = arith.constant 0 : i32
        %dma_start3A_63 = arith.constant 0 : i32
        %dma_start3A_64 = tpu.memref_slice %arg8[%dma_start3A_61, %dma_start3A_62, %dma_start3A_63] : memref<1x2x128xi32, #tpu.memory_space<vmem>> -> memref<1x1x128xi32, #tpu.memory_space<vmem>>
        %dma_start3A_65 = tpu.memref_squeeze %dma_start3A_64 : memref<1x1x128xi32, #tpu.memory_space<vmem>> -> memref<128xi32, #tpu.memory_space<vmem>>
        %dma_start3A_66 = arith.constant 0 : i32
        %dma_start3A_67 = arith.constant 0 : i32
        %dma_start3A_68 = tpu.memref_slice %arg3[%dma_start3A_66, %dma_start3A_67] : memref<10000x128xf32, #tpu.memory_space<hbm>> -> memref<10000x128xf32, #tpu.memory_space<hbm>>
        tpu.enqueue_indirect_dma source(%dma_start3A_68 : memref<10000x128xf32, #tpu.memory_space<hbm>>) target(%arg10 : memref<128x128xf32, #tpu.memory_space<vmem>>) offsets(%dma_start3A_65 : memref<128xi32, #tpu.memory_space<vmem>>) semaphore(%arg15 : memref<!tpu.dma_semaphore, #tpu.memory_space<semaphore_mem>>)
        %dma_wait3A_69 = arith.constant 0 : i32
        %dma_wait3A_70 = arith.constant 0 : i32
        %dma_wait3A_71 = arith.constant 0 : i32
        %dma_wait3A_72 = tpu.memref_slice %arg7[%dma_wait3A_69, %dma_wait3A_70, %dma_wait3A_71] : memref<1x2x128xi32, #tpu.memory_space<vmem>> -> memref<1x1x128xi32, #tpu.memory_space<vmem>>
        %dma_wait3A_73 = tpu.memref_squeeze %dma_wait3A_72 : memref<1x1x128xi32, #tpu.memory_space<vmem>> -> memref<128xi32, #tpu.memory_space<vmem>>
        %dma_wait3A_74 = arith.constant 0 : i32
        %dma_wait3A_75 = arith.constant 0 : i32
        %dma_wait3A_76 = tpu.memref_slice %arg3[%dma_wait3A_74, %dma_wait3A_75] : memref<10000x128xf32, #tpu.memory_space<hbm>> -> memref<10000x128xf32, #tpu.memory_space<hbm>>
        tpu.wait_indirect_dma semaphore(%arg14 : memref<!tpu.dma_semaphore, #tpu.memory_space<semaphore_mem>>) src(%dma_wait3A_76 : memref<10000x128xf32, #tpu.memory_space<hbm>>) dst(%arg9 : memref<128x128xf32, #tpu.memory_space<vmem>>)
        %dma_start3A_77 = arith.constant 0 : i32
        %dma_start3A_78 = arith.constant 1 : i32
        %dma_start3A_79 = arith.constant 0 : i32
        %dma_start3A_80 = tpu.memref_slice %arg7[%dma_start3A_77, %dma_start3A_78, %dma_start3A_79] : memref<1x2x128xi32, #tpu.memory_space<vmem>> -> memref<1x1x128xi32, #tpu.memory_space<vmem>>
        %dma_start3A_81 = tpu.memref_squeeze %dma_start3A_80 : memref<1x1x128xi32, #tpu.memory_space<vmem>> -> memref<128xi32, #tpu.memory_space<vmem>>
        %dma_start3A_82 = arith.constant 0 : i32
        %dma_start3A_83 = arith.constant 0 : i32
        %dma_start3A_84 = tpu.memref_slice %arg11[%dma_start3A_82, %dma_start3A_83] : memref<10016x128xf32, #tpu.memory_space<vmem_shared>> -> memref<10016x128xf32, #tpu.memory_space<vmem_shared>>
        tpu.enqueue_indirect_dma source(%arg9 : memref<128x128xf32, #tpu.memory_space<vmem>>) target(%dma_start3A_84 : memref<10016x128xf32, #tpu.memory_space<vmem_shared>>) offsets(%dma_start3A_81 : memref<128xi32, #tpu.memory_space<vmem>>) semaphore(%arg16 : memref<!tpu.dma_semaphore, #tpu.memory_space<semaphore_mem>>) {add = true}
        %dma_wait3A_85 = arith.constant 0 : i32
        %dma_wait3A_86 = arith.constant 0 : i32
        %dma_wait3A_87 = arith.constant 0 : i32
        %dma_wait3A_88 = tpu.memref_slice %arg8[%dma_wait3A_85, %dma_wait3A_86, %dma_wait3A_87] : memref<1x2x128xi32, #tpu.memory_space<vmem>> -> memref<1x1x128xi32, #tpu.memory_space<vmem>>
        %dma_wait3A_89 = tpu.memref_squeeze %dma_wait3A_88 : memref<1x1x128xi32, #tpu.memory_space<vmem>> -> memref<128xi32, #tpu.memory_space<vmem>>
        %dma_wait3A_90 = arith.constant 0 : i32
        %dma_wait3A_91 = arith.constant 0 : i32
        %dma_wait3A_92 = tpu.memref_slice %arg3[%dma_wait3A_90, %dma_wait3A_91] : memref<10000x128xf32, #tpu.memory_space<hbm>> -> memref<10000x128xf32, #tpu.memory_space<hbm>>
        tpu.wait_indirect_dma semaphore(%arg15 : memref<!tpu.dma_semaphore, #tpu.memory_space<semaphore_mem>>) src(%dma_wait3A_92 : memref<10000x128xf32, #tpu.memory_space<hbm>>) dst(%arg10 : memref<128x128xf32, #tpu.memory_space<vmem>>)
        %dma_start3A_93 = arith.constant 0 : i32
        %dma_start3A_94 = arith.constant 1 : i32
        %dma_start3A_95 = arith.constant 0 : i32
        %dma_start3A_96 = tpu.memref_slice %arg8[%dma_start3A_93, %dma_start3A_94, %dma_start3A_95] : memref<1x2x128xi32, #tpu.memory_space<vmem>> -> memref<1x1x128xi32, #tpu.memory_space<vmem>>
        %dma_start3A_97 = tpu.memref_squeeze %dma_start3A_96 : memref<1x1x128xi32, #tpu.memory_space<vmem>> -> memref<128xi32, #tpu.memory_space<vmem>>
        %dma_start3A_98 = arith.constant 0 : i32
        %dma_start3A_99 = arith.constant 0 : i32
        %dma_start3A_100 = tpu.memref_slice %arg11[%dma_start3A_98, %dma_start3A_99] : memref<10016x128xf32, #tpu.memory_space<vmem_shared>> -> memref<10016x128xf32, #tpu.memory_space<vmem_shared>>
        tpu.enqueue_indirect_dma source(%arg10 : memref<128x128xf32, #tpu.memory_space<vmem>>) target(%dma_start3A_100 : memref<10016x128xf32, #tpu.memory_space<vmem_shared>>) offsets(%dma_start3A_97 : memref<128xi32, #tpu.memory_space<vmem>>) semaphore(%arg17 : memref<!tpu.dma_semaphore, #tpu.memory_space<semaphore_mem>>) {add = true}
        %dma_wait3A_101 = arith.constant 0 : i32
        %dma_wait3A_102 = arith.constant 1 : i32
        %dma_wait3A_103 = arith.constant 0 : i32
        %dma_wait3A_104 = tpu.memref_slice %arg7[%dma_wait3A_101, %dma_wait3A_102, %dma_wait3A_103] : memref<1x2x128xi32, #tpu.memory_space<vmem>> -> memref<1x1x128xi32, #tpu.memory_space<vmem>>
        %dma_wait3A_105 = tpu.memref_squeeze %dma_wait3A_104 : memref<1x1x128xi32, #tpu.memory_space<vmem>> -> memref<128xi32, #tpu.memory_space<vmem>>
        %dma_wait3A_106 = arith.constant 0 : i32
        %dma_wait3A_107 = arith.constant 0 : i32
        %dma_wait3A_108 = tpu.memref_slice %arg11[%dma_wait3A_106, %dma_wait3A_107] : memref<10016x128xf32, #tpu.memory_space<vmem_shared>> -> memref<10016x128xf32, #tpu.memory_space<vmem_shared>>
        tpu.wait_indirect_dma semaphore(%arg16 : memref<!tpu.dma_semaphore, #tpu.memory_space<semaphore_mem>>) src(%arg9 : memref<128x128xf32, #tpu.memory_space<vmem>>) dst(%dma_wait3A_108 : memref<10016x128xf32, #tpu.memory_space<vmem_shared>>)
        %dma_wait3A_109 = arith.constant 0 : i32
        %dma_wait3A_110 = arith.constant 1 : i32
        %dma_wait3A_111 = arith.constant 0 : i32
        %dma_wait3A_112 = tpu.memref_slice %arg8[%dma_wait3A_109, %dma_wait3A_110, %dma_wait3A_111] : memref<1x2x128xi32, #tpu.memory_space<vmem>> -> memref<1x1x128xi32, #tpu.memory_space<vmem>>
        %dma_wait3A_113 = tpu.memref_squeeze %dma_wait3A_112 : memref<1x1x128xi32, #tpu.memory_space<vmem>> -> memref<128xi32, #tpu.memory_space<vmem>>
        %dma_wait3A_114 = arith.constant 0 : i32
        %dma_wait3A_115 = arith.constant 0 : i32
        %dma_wait3A_116 = tpu.memref_slice %arg11[%dma_wait3A_114, %dma_wait3A_115] : memref<10016x128xf32, #tpu.memory_space<vmem_shared>> -> memref<10016x128xf32, #tpu.memory_space<vmem_shared>>
        tpu.wait_indirect_dma semaphore(%arg17 : memref<!tpu.dma_semaphore, #tpu.memory_space<semaphore_mem>>) src(%arg10 : memref<128x128xf32, #tpu.memory_space<vmem>>) dst(%dma_wait3A_116 : memref<10016x128xf32, #tpu.memory_space<vmem_shared>>)
      }
      %scan3A_25 = arith.constant 79 : i32
    } else {
    }
    %eq3A_3 = arith.constant 1 : i32
    %eq3A_4 = arith.cmpi eq, %arg0, %eq3A_3 : i32
    %convert_element_type3A_5 = arith.extui %eq3A_4 : i1 to i32
    %cond3A_6 = arith.constant 0 : i32
    %cond3A_7 = arith.cmpi ne, %convert_element_type3A_5, %cond3A_6 : i32
    scf.if %cond3A_7 {
      %mul3A_19 = arith.constant 158 : i32
      %mul3A_20 = arith.muli %arg1, %mul3A_19 : i32
      %scan3A = arith.constant 0 : i32
      %scan3A_21 = arith.constant 0 : i32
      %scan3A_22 = arith.constant 79 : i32
      %scan3A_23 = arith.addi %scan3A_21, %scan3A_22 : i32
      %scan3A_24 = arith.constant 1 : i32
      scf.for %scan3A_26 = %scan3A_21 to %scan3A_23 step %scan3A_24  : i32 {
        %mul3A_27 = arith.constant 2 : i32
        %mul3A_28 = arith.muli %mul3A_27, %scan3A_26 : i32
        %add3A = arith.addi %mul3A_20, %mul3A_28 : i32
        %dma_start3A = arith.constant 0 : i32
        %dma_start3A_29 = arith.constant 0 : i32
        %dma_start3A_30 = tpu.memref_slice %arg2[%add3A, %dma_start3A, %dma_start3A_29] : memref<2528x2x128xi32, #tpu.memory_space<hbm>> -> memref<1x2x128xi32, #tpu.memory_space<hbm>>
        %dma_start3A_31 = arith.constant 0 : i32
        %dma_start3A_32 = arith.constant 0 : i32
        %dma_start3A_33 = tpu.memref_slice %arg2[%add3A, %dma_start3A_31, %dma_start3A_32] : memref<2528x2x128xi32, #tpu.memory_space<hbm>> -> memref<1x2x128xi32, #tpu.memory_space<hbm>>
        tpu.enqueue_dma source(%dma_start3A_33 : memref<1x2x128xi32, #tpu.memory_space<hbm>>) target(%arg7 : memref<1x2x128xi32, #tpu.memory_space<vmem>>) target_semaphore(%arg12 : memref<!tpu.dma_semaphore, #tpu.memory_space<semaphore_mem>>)
        %add3A_34 = arith.constant 1 : i32
        %add3A_35 = arith.addi %add3A, %add3A_34 : i32
        %dma_start3A_36 = arith.constant 0 : i32
        %dma_start3A_37 = arith.constant 0 : i32
        %dma_start3A_38 = tpu.memref_slice %arg2[%add3A_35, %dma_start3A_36, %dma_start3A_37] : memref<2528x2x128xi32, #tpu.memory_space<hbm>> -> memref<1x2x128xi32, #tpu.memory_space<hbm>>
        %dma_start3A_39 = arith.constant 0 : i32
        %dma_start3A_40 = arith.constant 0 : i32
        %dma_start3A_41 = tpu.memref_slice %arg2[%add3A_35, %dma_start3A_39, %dma_start3A_40] : memref<2528x2x128xi32, #tpu.memory_space<hbm>> -> memref<1x2x128xi32, #tpu.memory_space<hbm>>
        tpu.enqueue_dma source(%dma_start3A_41 : memref<1x2x128xi32, #tpu.memory_space<hbm>>) target(%arg8 : memref<1x2x128xi32, #tpu.memory_space<vmem>>) target_semaphore(%arg13 : memref<!tpu.dma_semaphore, #tpu.memory_space<semaphore_mem>>)
        %dma_wait3A = arith.constant 0 : i32
        %dma_wait3A_42 = arith.constant 0 : i32
        %dma_wait3A_43 = tpu.memref_slice %arg2[%add3A, %dma_wait3A, %dma_wait3A_42] : memref<2528x2x128xi32, #tpu.memory_space<hbm>> -> memref<1x2x128xi32, #tpu.memory_space<hbm>>
        %dma_wait3A_44 = arith.constant 0 : i32
        %dma_wait3A_45 = arith.constant 0 : i32
        %dma_wait3A_46 = tpu.memref_slice %arg2[%add3A, %dma_wait3A_44, %dma_wait3A_45] : memref<2528x2x128xi32, #tpu.memory_space<hbm>> -> memref<1x2x128xi32, #tpu.memory_space<hbm>>
        tpu.wait_dma2 semaphore(%arg12 : memref<!tpu.dma_semaphore, #tpu.memory_space<semaphore_mem>>) src(%dma_wait3A_46 : memref<1x2x128xi32, #tpu.memory_space<hbm>>) dst(%arg7 : memref<1x2x128xi32, #tpu.memory_space<vmem>>)
        %dma_start3A_47 = arith.constant 0 : i32
        %dma_start3A_48 = arith.constant 0 : i32
        %dma_start3A_49 = arith.constant 0 : i32
        %dma_start3A_50 = tpu.memref_slice %arg7[%dma_start3A_47, %dma_start3A_48, %dma_start3A_49] : memref<1x2x128xi32, #tpu.memory_space<vmem>> -> memref<1x1x128xi32, #tpu.memory_space<vmem>>
        %dma_start3A_51 = tpu.memref_squeeze %dma_start3A_50 : memref<1x1x128xi32, #tpu.memory_space<vmem>> -> memref<128xi32, #tpu.memory_space<vmem>>
        %dma_start3A_52 = arith.constant 0 : i32
        %dma_start3A_53 = arith.constant 0 : i32
        %dma_start3A_54 = tpu.memref_slice %arg4[%dma_start3A_52, %dma_start3A_53] : memref<10000x128xf32, #tpu.memory_space<hbm>> -> memref<10000x128xf32, #tpu.memory_space<hbm>>
        tpu.enqueue_indirect_dma source(%dma_start3A_54 : memref<10000x128xf32, #tpu.memory_space<hbm>>) target(%arg9 : memref<128x128xf32, #tpu.memory_space<vmem>>) offsets(%dma_start3A_51 : memref<128xi32, #tpu.memory_space<vmem>>) semaphore(%arg14 : memref<!tpu.dma_semaphore, #tpu.memory_space<semaphore_mem>>)
        %dma_wait3A_55 = arith.constant 0 : i32
        %dma_wait3A_56 = arith.constant 0 : i32
        %dma_wait3A_57 = tpu.memref_slice %arg2[%add3A_35, %dma_wait3A_55, %dma_wait3A_56] : memref<2528x2x128xi32, #tpu.memory_space<hbm>> -> memref<1x2x128xi32, #tpu.memory_space<hbm>>
        %dma_wait3A_58 = arith.constant 0 : i32
        %dma_wait3A_59 = arith.constant 0 : i32
        %dma_wait3A_60 = tpu.memref_slice %arg2[%add3A_35, %dma_wait3A_58, %dma_wait3A_59] : memref<2528x2x128xi32, #tpu.memory_space<hbm>> -> memref<1x2x128xi32, #tpu.memory_space<hbm>>
        tpu.wait_dma2 semaphore(%arg13 : memref<!tpu.dma_semaphore, #tpu.memory_space<semaphore_mem>>) src(%dma_wait3A_60 : memref<1x2x128xi32, #tpu.memory_space<hbm>>) dst(%arg8 : memref<1x2x128xi32, #tpu.memory_space<vmem>>)
        %dma_start3A_61 = arith.constant 0 : i32
        %dma_start3A_62 = arith.constant 0 : i32
        %dma_start3A_63 = arith.constant 0 : i32
        %dma_start3A_64 = tpu.memref_slice %arg8[%dma_start3A_61, %dma_start3A_62, %dma_start3A_63] : memref<1x2x128xi32, #tpu.memory_space<vmem>> -> memref<1x1x128xi32, #tpu.memory_space<vmem>>
        %dma_start3A_65 = tpu.memref_squeeze %dma_start3A_64 : memref<1x1x128xi32, #tpu.memory_space<vmem>> -> memref<128xi32, #tpu.memory_space<vmem>>
        %dma_start3A_66 = arith.constant 0 : i32
        %dma_start3A_67 = arith.constant 0 : i32
        %dma_start3A_68 = tpu.memref_slice %arg4[%dma_start3A_66, %dma_start3A_67] : memref<10000x128xf32, #tpu.memory_space<hbm>> -> memref<10000x128xf32, #tpu.memory_space<hbm>>
        tpu.enqueue_indirect_dma source(%dma_start3A_68 : memref<10000x128xf32, #tpu.memory_space<hbm>>) target(%arg10 : memref<128x128xf32, #tpu.memory_space<vmem>>) offsets(%dma_start3A_65 : memref<128xi32, #tpu.memory_space<vmem>>) semaphore(%arg15 : memref<!tpu.dma_semaphore, #tpu.memory_space<semaphore_mem>>)
        %dma_wait3A_69 = arith.constant 0 : i32
        %dma_wait3A_70 = arith.constant 0 : i32
        %dma_wait3A_71 = arith.constant 0 : i32
        %dma_wait3A_72 = tpu.memref_slice %arg7[%dma_wait3A_69, %dma_wait3A_70, %dma_wait3A_71] : memref<1x2x128xi32, #tpu.memory_space<vmem>> -> memref<1x1x128xi32, #tpu.memory_space<vmem>>
        %dma_wait3A_73 = tpu.memref_squeeze %dma_wait3A_72 : memref<1x1x128xi32, #tpu.memory_space<vmem>> -> memref<128xi32, #tpu.memory_space<vmem>>
        %dma_wait3A_74 = arith.constant 0 : i32
        %dma_wait3A_75 = arith.constant 0 : i32
        %dma_wait3A_76 = tpu.memref_slice %arg4[%dma_wait3A_74, %dma_wait3A_75] : memref<10000x128xf32, #tpu.memory_space<hbm>> -> memref<10000x128xf32, #tpu.memory_space<hbm>>
        tpu.wait_indirect_dma semaphore(%arg14 : memref<!tpu.dma_semaphore, #tpu.memory_space<semaphore_mem>>) src(%dma_wait3A_76 : memref<10000x128xf32, #tpu.memory_space<hbm>>) dst(%arg9 : memref<128x128xf32, #tpu.memory_space<vmem>>)
        %dma_start3A_77 = arith.constant 0 : i32
        %dma_start3A_78 = arith.constant 1 : i32
        %dma_start3A_79 = arith.constant 0 : i32
        %dma_start3A_80 = tpu.memref_slice %arg7[%dma_start3A_77, %dma_start3A_78, %dma_start3A_79] : memref<1x2x128xi32, #tpu.memory_space<vmem>> -> memref<1x1x128xi32, #tpu.memory_space<vmem>>
        %dma_start3A_81 = tpu.memref_squeeze %dma_start3A_80 : memref<1x1x128xi32, #tpu.memory_space<vmem>> -> memref<128xi32, #tpu.memory_space<vmem>>
        %dma_start3A_82 = arith.constant 0 : i32
        %dma_start3A_83 = arith.constant 0 : i32
        %dma_start3A_84 = tpu.memref_slice %arg11[%dma_start3A_82, %dma_start3A_83] : memref<10016x128xf32, #tpu.memory_space<vmem_shared>> -> memref<10016x128xf32, #tpu.memory_space<vmem_shared>>
        tpu.enqueue_indirect_dma source(%arg9 : memref<128x128xf32, #tpu.memory_space<vmem>>) target(%dma_start3A_84 : memref<10016x128xf32, #tpu.memory_space<vmem_shared>>) offsets(%dma_start3A_81 : memref<128xi32, #tpu.memory_space<vmem>>) semaphore(%arg16 : memref<!tpu.dma_semaphore, #tpu.memory_space<semaphore_mem>>) {add = true}
        %dma_wait3A_85 = arith.constant 0 : i32
        %dma_wait3A_86 = arith.constant 0 : i32
        %dma_wait3A_87 = arith.constant 0 : i32
        %dma_wait3A_88 = tpu.memref_slice %arg8[%dma_wait3A_85, %dma_wait3A_86, %dma_wait3A_87] : memref<1x2x128xi32, #tpu.memory_space<vmem>> -> memref<1x1x128xi32, #tpu.memory_space<vmem>>
        %dma_wait3A_89 = tpu.memref_squeeze %dma_wait3A_88 : memref<1x1x128xi32, #tpu.memory_space<vmem>> -> memref<128xi32, #tpu.memory_space<vmem>>
        %dma_wait3A_90 = arith.constant 0 : i32
        %dma_wait3A_91 = arith.constant 0 : i32
        %dma_wait3A_92 = tpu.memref_slice %arg4[%dma_wait3A_90, %dma_wait3A_91] : memref<10000x128xf32, #tpu.memory_space<hbm>> -> memref<10000x128xf32, #tpu.memory_space<hbm>>
        tpu.wait_indirect_dma semaphore(%arg15 : memref<!tpu.dma_semaphore, #tpu.memory_space<semaphore_mem>>) src(%dma_wait3A_92 : memref<10000x128xf32, #tpu.memory_space<hbm>>) dst(%arg10 : memref<128x128xf32, #tpu.memory_space<vmem>>)
        %dma_start3A_93 = arith.constant 0 : i32
        %dma_start3A_94 = arith.constant 1 : i32
        %dma_start3A_95 = arith.constant 0 : i32
        %dma_start3A_96 = tpu.memref_slice %arg8[%dma_start3A_93, %dma_start3A_94, %dma_start3A_95] : memref<1x2x128xi32, #tpu.memory_space<vmem>> -> memref<1x1x128xi32, #tpu.memory_space<vmem>>
        %dma_start3A_97 = tpu.memref_squeeze %dma_start3A_96 : memref<1x1x128xi32, #tpu.memory_space<vmem>> -> memref<128xi32, #tpu.memory_space<vmem>>
        %dma_start3A_98 = arith.constant 0 : i32
        %dma_start3A_99 = arith.constant 0 : i32
        %dma_start3A_100 = tpu.memref_slice %arg11[%dma_start3A_98, %dma_start3A_99] : memref<10016x128xf32, #tpu.memory_space<vmem_shared>> -> memref<10016x128xf32, #tpu.memory_space<vmem_shared>>
        tpu.enqueue_indirect_dma source(%arg10 : memref<128x128xf32, #tpu.memory_space<vmem>>) target(%dma_start3A_100 : memref<10016x128xf32, #tpu.memory_space<vmem_shared>>) offsets(%dma_start3A_97 : memref<128xi32, #tpu.memory_space<vmem>>) semaphore(%arg17 : memref<!tpu.dma_semaphore, #tpu.memory_space<semaphore_mem>>) {add = true}
        %dma_wait3A_101 = arith.constant 0 : i32
        %dma_wait3A_102 = arith.constant 1 : i32
        %dma_wait3A_103 = arith.constant 0 : i32
        %dma_wait3A_104 = tpu.memref_slice %arg7[%dma_wait3A_101, %dma_wait3A_102, %dma_wait3A_103] : memref<1x2x128xi32, #tpu.memory_space<vmem>> -> memref<1x1x128xi32, #tpu.memory_space<vmem>>
        %dma_wait3A_105 = tpu.memref_squeeze %dma_wait3A_104 : memref<1x1x128xi32, #tpu.memory_space<vmem>> -> memref<128xi32, #tpu.memory_space<vmem>>
        %dma_wait3A_106 = arith.constant 0 : i32
        %dma_wait3A_107 = arith.constant 0 : i32
        %dma_wait3A_108 = tpu.memref_slice %arg11[%dma_wait3A_106, %dma_wait3A_107] : memref<10016x128xf32, #tpu.memory_space<vmem_shared>> -> memref<10016x128xf32, #tpu.memory_space<vmem_shared>>
        tpu.wait_indirect_dma semaphore(%arg16 : memref<!tpu.dma_semaphore, #tpu.memory_space<semaphore_mem>>) src(%arg9 : memref<128x128xf32, #tpu.memory_space<vmem>>) dst(%dma_wait3A_108 : memref<10016x128xf32, #tpu.memory_space<vmem_shared>>)
        %dma_wait3A_109 = arith.constant 0 : i32
        %dma_wait3A_110 = arith.constant 1 : i32
        %dma_wait3A_111 = arith.constant 0 : i32
        %dma_wait3A_112 = tpu.memref_slice %arg8[%dma_wait3A_109, %dma_wait3A_110, %dma_wait3A_111] : memref<1x2x128xi32, #tpu.memory_space<vmem>> -> memref<1x1x128xi32, #tpu.memory_space<vmem>>
        %dma_wait3A_113 = tpu.memref_squeeze %dma_wait3A_112 : memref<1x1x128xi32, #tpu.memory_space<vmem>> -> memref<128xi32, #tpu.memory_space<vmem>>
        %dma_wait3A_114 = arith.constant 0 : i32
        %dma_wait3A_115 = arith.constant 0 : i32
        %dma_wait3A_116 = tpu.memref_slice %arg11[%dma_wait3A_114, %dma_wait3A_115] : memref<10016x128xf32, #tpu.memory_space<vmem_shared>> -> memref<10016x128xf32, #tpu.memory_space<vmem_shared>>
        tpu.wait_indirect_dma semaphore(%arg17 : memref<!tpu.dma_semaphore, #tpu.memory_space<semaphore_mem>>) src(%arg10 : memref<128x128xf32, #tpu.memory_space<vmem>>) dst(%dma_wait3A_116 : memref<10016x128xf32, #tpu.memory_space<vmem_shared>>)
      }
      %scan3A_25 = arith.constant 79 : i32
    } else {
    }
    %barrier3A_8 = arith.constant 0 : index
    tpu.barrier barrier_id(%barrier3A_8)
    %eq3A_9 = arith.constant 0 : i32
    %eq3A_10 = arith.cmpi eq, %arg0, %eq3A_9 : i32
    %convert_element_type3A_11 = arith.extui %eq3A_10 : i1 to i32
    %cond3A_12 = arith.constant 0 : i32
    %cond3A_13 = arith.cmpi ne, %convert_element_type3A_11, %cond3A_12 : i32
    scf.if %cond3A_13 {
      %mul3A_19 = arith.constant 625 : i32
      %mul3A_20 = arith.muli %arg1, %mul3A_19 : i32
      %mul3A_21 = arith.constant 625 : i32
      %mul3A_22 = arith.muli %arg1, %mul3A_21 : i32
      %run_scoped3A = arith.constant 0 : i32
      "tpu.region"() ({
        %run_scoped3A_23 = tpu.sem_alloc : memref<!tpu.dma_semaphore, #tpu.memory_space<semaphore_mem>>
        %dma_start3A = arith.constant 0 : i32
        %dma_start3A_24 = tpu.memref_slice %arg6[%run_scoped3A, %mul3A_22, %dma_start3A] : memref<2x10000x128xf32, #tpu.memory_space<hbm>> -> memref<1x625x128xf32, #tpu.memory_space<hbm>>
        %dma_start3A_25 = tpu.memref_squeeze %dma_start3A_24 : memref<1x625x128xf32, #tpu.memory_space<hbm>> -> memref<625x128xf32, #tpu.memory_space<hbm>>
        %dma_start3A_26 = arith.constant 0 : i32
        %dma_start3A_27 = tpu.memref_slice %arg11[%mul3A_20, %dma_start3A_26] : memref<10016x128xf32, #tpu.memory_space<vmem_shared>> -> memref<625x128xf32, #tpu.memory_space<vmem_shared>>
        tpu.enqueue_dma source(%dma_start3A_27 : memref<625x128xf32, #tpu.memory_space<vmem_shared>>) target(%dma_start3A_25 : memref<625x128xf32, #tpu.memory_space<hbm>>) target_semaphore(%run_scoped3A_23 : memref<!tpu.dma_semaphore, #tpu.memory_space<semaphore_mem>>)
        %dma_wait3A = arith.constant 0 : i32
        %dma_wait3A_28 = tpu.memref_slice %arg6[%run_scoped3A, %mul3A_22, %dma_wait3A] : memref<2x10000x128xf32, #tpu.memory_space<hbm>> -> memref<1x625x128xf32, #tpu.memory_space<hbm>>
        %dma_wait3A_29 = tpu.memref_squeeze %dma_wait3A_28 : memref<1x625x128xf32, #tpu.memory_space<hbm>> -> memref<625x128xf32, #tpu.memory_space<hbm>>
        %dma_wait3A_30 = arith.constant 0 : i32
        %dma_wait3A_31 = tpu.memref_slice %arg11[%mul3A_20, %dma_wait3A_30] : memref<10016x128xf32, #tpu.memory_space<vmem_shared>> -> memref<625x128xf32, #tpu.memory_space<vmem_shared>>
        tpu.wait_dma2 semaphore(%run_scoped3A_23 : memref<!tpu.dma_semaphore, #tpu.memory_space<semaphore_mem>>) src(%dma_wait3A_31 : memref<625x128xf32, #tpu.memory_space<vmem_shared>>) dst(%dma_wait3A_29 : memref<625x128xf32, #tpu.memory_space<hbm>>)
        tpu.yield
      }) : () -> ()
    } else {
    }
    %eq3A_14 = arith.constant 1 : i32
    %eq3A_15 = arith.cmpi eq, %arg0, %eq3A_14 : i32
    %convert_element_type3A_16 = arith.extui %eq3A_15 : i1 to i32
    %cond3A_17 = arith.constant 0 : i32
    %cond3A_18 = arith.cmpi ne, %convert_element_type3A_16, %cond3A_17 : i32
    scf.if %cond3A_18 {
      %mul3A_19 = arith.constant 625 : i32
      %mul3A_20 = arith.muli %arg1, %mul3A_19 : i32
      %mul3A_21 = arith.constant 625 : i32
      %mul3A_22 = arith.muli %arg1, %mul3A_21 : i32
      %run_scoped3A = arith.constant 1 : i32
      "tpu.region"() ({
        %run_scoped3A_23 = tpu.sem_alloc : memref<!tpu.dma_semaphore, #tpu.memory_space<semaphore_mem>>
        %dma_start3A = arith.constant 0 : i32
        %dma_start3A_24 = tpu.memref_slice %arg6[%run_scoped3A, %mul3A_22, %dma_start3A] : memref<2x10000x128xf32, #tpu.memory_space<hbm>> -> memref<1x625x128xf32, #tpu.memory_space<hbm>>
        %dma_start3A_25 = tpu.memref_squeeze %dma_start3A_24 : memref<1x625x128xf32, #tpu.memory_space<hbm>> -> memref<625x128xf32, #tpu.memory_space<hbm>>
        %dma_start3A_26 = arith.constant 0 : i32
        %dma_start3A_27 = tpu.memref_slice %arg11[%mul3A_20, %dma_start3A_26] : memref<10016x128xf32, #tpu.memory_space<vmem_shared>> -> memref<625x128xf32, #tpu.memory_space<vmem_shared>>
        tpu.enqueue_dma source(%dma_start3A_27 : memref<625x128xf32, #tpu.memory_space<vmem_shared>>) target(%dma_start3A_25 : memref<625x128xf32, #tpu.memory_space<hbm>>) target_semaphore(%run_scoped3A_23 : memref<!tpu.dma_semaphore, #tpu.memory_space<semaphore_mem>>)
        %dma_wait3A = arith.constant 0 : i32
        %dma_wait3A_28 = tpu.memref_slice %arg6[%run_scoped3A, %mul3A_22, %dma_wait3A] : memref<2x10000x128xf32, #tpu.memory_space<hbm>> -> memref<1x625x128xf32, #tpu.memory_space<hbm>>
        %dma_wait3A_29 = tpu.memref_squeeze %dma_wait3A_28 : memref<1x625x128xf32, #tpu.memory_space<hbm>> -> memref<625x128xf32, #tpu.memory_space<hbm>>
        %dma_wait3A_30 = arith.constant 0 : i32
        %dma_wait3A_31 = tpu.memref_slice %arg11[%mul3A_20, %dma_wait3A_30] : memref<10016x128xf32, #tpu.memory_space<vmem_shared>> -> memref<625x128xf32, #tpu.memory_space<vmem_shared>>
        tpu.wait_dma2 semaphore(%run_scoped3A_23 : memref<!tpu.dma_semaphore, #tpu.memory_space<semaphore_mem>>) src(%dma_wait3A_31 : memref<625x128xf32, #tpu.memory_space<vmem_shared>>) dst(%dma_wait3A_29 : memref<625x128xf32, #tpu.memory_space<hbm>>)
        tpu.yield
      }) : () -> ()
    } else {
    }
    return
  }
}

module attributes {stable_mosaic.version = 14 : i64} {
  func.func @_pre_body(%arg0: i32, %arg1: memref<1000x256xf32, #tpu.memory_space<vmem>>, %arg2: memref<256x256xf32, #tpu.memory_space<vmem>>, %arg3: memref<1000x8xf32, #tpu.memory_space<vmem>>, %arg4: memref<1000x128xf32, #tpu.memory_space<vmem>>, %arg5: memref<1000x128xf32, #tpu.memory_space<vmem>>) attributes {dimension_semantics = [#tpu.dimension_semantics<arbitrary>], iteration_bounds = array<i64: 10>, scalar_prefetch = 0 : i64, scratch_operands = 0 : i64, tpu.core_type = #tpu.core_type<tc>, window_params = [{transform_indices = @transform_0, window_bounds = array<i64: 1000, 256>}, {pipeline_mode = #tpu.pipeline_mode<synchronous>, transform_indices = @transform_1, window_bounds = array<i64: 256, 256>}, {transform_indices = @transform_2, window_bounds = array<i64: 1000, 8>}, {transform_indices = @transform_3, window_bounds = array<i64: 1000, 128>}, {transform_indices = @transform_4, window_bounds = array<i64: 1000, 128>}]} {
    %get3A = arith.constant 0 : index
    %get3A_0 = arith.constant 0 : index
    %get3A_1 = vector.load %arg3[%get3A, %get3A_0] : memref<1000x8xf32, #tpu.memory_space<vmem>>, vector<1000x1xf32>
    %add3A = arith.constant 1.000000e+00 : f32
    %add3A_2 = vector.broadcast %add3A : f32 to vector<1000x1xf32>
    %add3A_3 = arith.addf %get3A_1, %add3A_2 : vector<1000x1xf32>
    %rsqrt3A = math.rsqrt %add3A_3 : vector<1000x1xf32>
    %get3A_4 = arith.constant 0 : index
    %get3A_5 = arith.constant 0 : index
    %get3A_6 = vector.load %arg1[%get3A_4, %get3A_5] : memref<1000x256xf32, #tpu.memory_space<vmem>>, vector<1000x256xf32>
    %get3A_7 = arith.constant 0 : index
    %get3A_8 = arith.constant 0 : index
    %get3A_9 = vector.load %arg2[%get3A_7, %get3A_8] : memref<256x256xf32, #tpu.memory_space<vmem>>, vector<256x256xf32>
    %dot_general3A = arith.constant dense<0.000000e+00> : vector<1000x256xf32>
    %dot_general3A_10 = tpu.matmul %get3A_6, %get3A_9, %dot_general3A {dimension_numbers = #tpu.dot_dimension_numbers<[1], [0], [0], [1], [0, 0, 1, 1], [], []>, transpose_lhs_hint = false} : vector<1000x256xf32>, vector<256x256xf32>, vector<1000x256xf32> -> vector<1000x256xf32>
    %mul3A = vector.broadcast %rsqrt3A : vector<1000x1xf32> to vector<1000x256xf32>
    %mul3A_11 = arith.mulf %mul3A, %dot_general3A_10 : vector<1000x256xf32>
    %slice3A = vector.extract_strided_slice %mul3A_11 {offsets = [0, 0], sizes = [1000, 128], strides = [1, 1]} : vector<1000x256xf32> to vector<1000x128xf32>
    %swap3A = arith.constant 0 : index
    %swap3A_12 = arith.constant 0 : index
    %swap3A_13 = vector.load %arg4[%swap3A, %swap3A_12] : memref<1000x128xf32, #tpu.memory_space<vmem>>, vector<1000x128xf32>
    tpu.vector_store %arg4[%swap3A, %swap3A_12], %slice3A {strides = array<i32>} : memref<1000x128xf32, #tpu.memory_space<vmem>>, vector<1000x128xf32>,
    %slice3A_14 = vector.extract_strided_slice %mul3A_11 {offsets = [0, 128], sizes = [1000, 128], strides = [1, 1]} : vector<1000x256xf32> to vector<1000x128xf32>
    %swap3A_15 = arith.constant 0 : index
    %swap3A_16 = arith.constant 0 : index
    %swap3A_17 = vector.load %arg5[%swap3A_15, %swap3A_16] : memref<1000x128xf32, #tpu.memory_space<vmem>>, vector<1000x128xf32>
    tpu.vector_store %arg5[%swap3A_15, %swap3A_16], %slice3A_14 {strides = array<i32>} : memref<1000x128xf32, #tpu.memory_space<vmem>>, vector<1000x128xf32>,
    return
  }
  func.func @transform_0(%arg0: i32) -> (i32, i32) {
    %c0_i32 = arith.constant 0 : i32
    %c0_i32_0 = arith.constant 0 : i32
    return %arg0, %c0_i32 : i32, i32
  }
  func.func @transform_1(%arg0: i32) -> (i32, i32) {
    %c0_i32 = arith.constant 0 : i32
    %c0_i32_0 = arith.constant 0 : i32
    %c0_i32_1 = arith.constant 0 : i32
    return %c0_i32, %c0_i32_0 : i32, i32
  }
  func.func @transform_2(%arg0: i32) -> (i32, i32) {
    %c0_i32 = arith.constant 0 : i32
    %c0_i32_0 = arith.constant 0 : i32
    return %arg0, %c0_i32 : i32, i32
  }
  func.func @transform_3(%arg0: i32) -> (i32, i32) {
    %c0_i32 = arith.constant 0 : i32
    %c0_i32_0 = arith.constant 0 : i32
    return %arg0, %c0_i32 : i32, i32
  }
  func.func @transform_4(%arg0: i32) -> (i32, i32) {
    %c0_i32 = arith.constant 0 : i32
    %c0_i32_0 = arith.constant 0 : i32
    return %arg0, %c0_i32 : i32, i32
  }
}

module attributes {stable_mosaic.version = 14 : i64} {
  func.func @_mid_body(%arg0: i32, %arg1: memref<2x1000x128xf32, #tpu.memory_space<vmem>>, %arg2: memref<1000x128xf32, #tpu.memory_space<vmem>>, %arg3: memref<1000x128xf32, #tpu.memory_space<vmem>>, %arg4: memref<1000x8xf32, #tpu.memory_space<vmem>>, %arg5: memref<1x256xf32, #tpu.memory_space<vmem>>, %arg6: memref<256x256xf32, #tpu.memory_space<vmem>>, %arg7: memref<1000x128xf32, #tpu.memory_space<vmem>>, %arg8: memref<1000x128xf32, #tpu.memory_space<vmem>>) attributes {dimension_semantics = [#tpu.dimension_semantics<arbitrary>], iteration_bounds = array<i64: 10>, scalar_prefetch = 0 : i64, scratch_operands = 0 : i64, tpu.core_type = #tpu.core_type<tc>, window_params = [{transform_indices = @transform_0, window_bounds = array<i64: 2, 1000, 128>}, {transform_indices = @transform_1, window_bounds = array<i64: 1000, 128>}, {transform_indices = @transform_2, window_bounds = array<i64: 1000, 128>}, {transform_indices = @transform_3, window_bounds = array<i64: 1000, 8>}, {pipeline_mode = #tpu.pipeline_mode<synchronous>, transform_indices = @transform_4, window_bounds = array<i64: 1, 256>}, {pipeline_mode = #tpu.pipeline_mode<synchronous>, transform_indices = @transform_5, window_bounds = array<i64: 256, 256>}, {transform_indices = @transform_6, window_bounds = array<i64: 1000, 128>}, {transform_indices = @transform_7, window_bounds = array<i64: 1000, 128>}]} {
    %get3A = arith.constant 0 : index
    %get3A_0 = arith.constant 0 : index
    %get3A_1 = vector.load %arg4[%get3A, %get3A_0] : memref<1000x8xf32, #tpu.memory_space<vmem>>, vector<1000x1xf32>
    %add3A = arith.constant 1.000000e+00 : f32
    %add3A_2 = vector.broadcast %add3A : f32 to vector<1000x1xf32>
    %add3A_3 = arith.addf %get3A_1, %add3A_2 : vector<1000x1xf32>
    %rsqrt3A = math.rsqrt %add3A_3 : vector<1000x1xf32>
    %get3A_4 = arith.constant 0 : index
    %get3A_5 = arith.constant 0 : index
    %get3A_6 = arith.constant 0 : index
    %get3A_7 = vector.load %arg1[%get3A_4, %get3A_5, %get3A_6] : memref<2x1000x128xf32, #tpu.memory_space<vmem>>, vector<1x1000x128xf32>
    %get3A_8 = vector.shape_cast %get3A_7 : vector<1x1000x128xf32> to vector<1000x128xf32>
    %get3A_9 = arith.constant 1 : index
    %get3A_10 = arith.constant 0 : index
    %get3A_11 = arith.constant 0 : index
    %get3A_12 = vector.load %arg1[%get3A_9, %get3A_10, %get3A_11] : memref<2x1000x128xf32, #tpu.memory_space<vmem>>, vector<1x1000x128xf32>
    %get3A_13 = vector.shape_cast %get3A_12 : vector<1x1000x128xf32> to vector<1000x128xf32>
    %concatenate3A = tpu.concatenate %get3A_8, %get3A_13 in 1 : vector<1000x128xf32>, vector<1000x128xf32> -> vector<1000x256xf32>
    %get3A_14 = arith.constant 0 : index
    %get3A_15 = arith.constant 0 : index
    %get3A_16 = vector.load %arg2[%get3A_14, %get3A_15] : memref<1000x128xf32, #tpu.memory_space<vmem>>, vector<1000x128xf32>
    %get3A_17 = arith.constant 0 : index
    %get3A_18 = arith.constant 0 : index
    %get3A_19 = vector.load %arg3[%get3A_17, %get3A_18] : memref<1000x128xf32, #tpu.memory_space<vmem>>, vector<1000x128xf32>
    %concatenate3A_20 = tpu.concatenate %get3A_16, %get3A_19 in 1 : vector<1000x128xf32>, vector<1000x128xf32> -> vector<1000x256xf32>
    %add3A_21 = arith.addf %concatenate3A, %concatenate3A_20 : vector<1000x256xf32>
    %mul3A = vector.broadcast %rsqrt3A : vector<1000x1xf32> to vector<1000x256xf32>
    %mul3A_22 = arith.mulf %mul3A, %add3A_21 : vector<1000x256xf32>
    %get3A_23 = arith.constant 0 : index
    %get3A_24 = arith.constant 0 : index
    %get3A_25 = vector.load %arg5[%get3A_23, %get3A_24] : memref<1x256xf32, #tpu.memory_space<vmem>>, vector<1x256xf32>
    %add3A_26 = vector.broadcast %get3A_25 : vector<1x256xf32> to vector<1000x256xf32>
    %add3A_27 = arith.addf %mul3A_22, %add3A_26 : vector<1000x256xf32>
    %max3A = arith.constant 0.000000e+00 : f32
    %max3A_28 = vector.broadcast %max3A : f32 to vector<1000x256xf32>
    %max3A_29 = arith.maximumf %add3A_27, %max3A_28 : vector<1000x256xf32>
    %get3A_30 = arith.constant 0 : index
    %get3A_31 = arith.constant 0 : index
    %get3A_32 = vector.load %arg6[%get3A_30, %get3A_31] : memref<256x256xf32, #tpu.memory_space<vmem>>, vector<256x256xf32>
    %dot_general3A = arith.constant dense<0.000000e+00> : vector<1000x256xf32>
    %dot_general3A_33 = tpu.matmul %max3A_29, %get3A_32, %dot_general3A {dimension_numbers = #tpu.dot_dimension_numbers<[1], [0], [0], [1], [0, 0, 1, 1], [], []>, transpose_lhs_hint = false} : vector<1000x256xf32>, vector<256x256xf32>, vector<1000x256xf32> -> vector<1000x256xf32>
    %mul3A_34 = vector.broadcast %rsqrt3A : vector<1000x1xf32> to vector<1000x256xf32>
    %mul3A_35 = arith.mulf %mul3A_34, %dot_general3A_33 : vector<1000x256xf32>
    %slice3A = vector.extract_strided_slice %mul3A_35 {offsets = [0, 0], sizes = [1000, 128], strides = [1, 1]} : vector<1000x256xf32> to vector<1000x128xf32>
    %swap3A = arith.constant 0 : index
    %swap3A_36 = arith.constant 0 : index
    %swap3A_37 = vector.load %arg7[%swap3A, %swap3A_36] : memref<1000x128xf32, #tpu.memory_space<vmem>>, vector<1000x128xf32>
    tpu.vector_store %arg7[%swap3A, %swap3A_36], %slice3A {strides = array<i32>} : memref<1000x128xf32, #tpu.memory_space<vmem>>, vector<1000x128xf32>,
    %slice3A_38 = vector.extract_strided_slice %mul3A_35 {offsets = [0, 128], sizes = [1000, 128], strides = [1, 1]} : vector<1000x256xf32> to vector<1000x128xf32>
    %swap3A_39 = arith.constant 0 : index
    %swap3A_40 = arith.constant 0 : index
    %swap3A_41 = vector.load %arg8[%swap3A_39, %swap3A_40] : memref<1000x128xf32, #tpu.memory_space<vmem>>, vector<1000x128xf32>
    tpu.vector_store %arg8[%swap3A_39, %swap3A_40], %slice3A_38 {strides = array<i32>} : memref<1000x128xf32, #tpu.memory_space<vmem>>, vector<1000x128xf32>,
    return
  }
  func.func @transform_0(%arg0: i32) -> (i32, i32, i32) {
    %c0_i32 = arith.constant 0 : i32
    %c0_i32_0 = arith.constant 0 : i32
    %c0_i32_1 = arith.constant 0 : i32
    return %c0_i32, %arg0, %c0_i32_0 : i32, i32, i32
  }
  func.func @transform_1(%arg0: i32) -> (i32, i32) {
    %c0_i32 = arith.constant 0 : i32
    %c0_i32_0 = arith.constant 0 : i32
    return %arg0, %c0_i32 : i32, i32
  }
  func.func @transform_2(%arg0: i32) -> (i32, i32) {
    %c0_i32 = arith.constant 0 : i32
    %c0_i32_0 = arith.constant 0 : i32
    return %arg0, %c0_i32 : i32, i32
  }
  func.func @transform_3(%arg0: i32) -> (i32, i32) {
    %c0_i32 = arith.constant 0 : i32
    %c0_i32_0 = arith.constant 0 : i32
    return %arg0, %c0_i32 : i32, i32
  }
  func.func @transform_4(%arg0: i32) -> (i32, i32) {
    %c0_i32 = arith.constant 0 : i32
    %c0_i32_0 = arith.constant 0 : i32
    %c0_i32_1 = arith.constant 0 : i32
    return %c0_i32, %c0_i32_0 : i32, i32
  }
  func.func @transform_5(%arg0: i32) -> (i32, i32) {
    %c0_i32 = arith.constant 0 : i32
    %c0_i32_0 = arith.constant 0 : i32
    %c0_i32_1 = arith.constant 0 : i32
    return %c0_i32, %c0_i32_0 : i32, i32
  }
  func.func @transform_6(%arg0: i32) -> (i32, i32) {
    %c0_i32 = arith.constant 0 : i32
    %c0_i32_0 = arith.constant 0 : i32
    return %arg0, %c0_i32 : i32, i32
  }
  func.func @transform_7(%arg0: i32) -> (i32, i32) {
    %c0_i32 = arith.constant 0 : i32
    %c0_i32_0 = arith.constant 0 : i32
    return %arg0, %c0_i32 : i32, i32
  }
}

module attributes {stable_mosaic.version = 14 : i64} {
  func.func @_post_body(%arg0: i32, %arg1: memref<2x1000x128xf32, #tpu.memory_space<vmem>>, %arg2: memref<1000x128xf32, #tpu.memory_space<vmem>>, %arg3: memref<1000x128xf32, #tpu.memory_space<vmem>>, %arg4: memref<1000x8xf32, #tpu.memory_space<vmem>>, %arg5: memref<1x256xf32, #tpu.memory_space<vmem>>, %arg6: memref<1000x256xf32, #tpu.memory_space<vmem>>) attributes {dimension_semantics = [#tpu.dimension_semantics<arbitrary>], iteration_bounds = array<i64: 10>, scalar_prefetch = 0 : i64, scratch_operands = 0 : i64, tpu.core_type = #tpu.core_type<tc>, window_params = [{transform_indices = @transform_0, window_bounds = array<i64: 2, 1000, 128>}, {transform_indices = @transform_1, window_bounds = array<i64: 1000, 128>}, {transform_indices = @transform_2, window_bounds = array<i64: 1000, 128>}, {transform_indices = @transform_3, window_bounds = array<i64: 1000, 8>}, {pipeline_mode = #tpu.pipeline_mode<synchronous>, transform_indices = @transform_4, window_bounds = array<i64: 1, 256>}, {transform_indices = @transform_5, window_bounds = array<i64: 1000, 256>}]} {
    %get3A = arith.constant 0 : index
    %get3A_0 = arith.constant 0 : index
    %get3A_1 = vector.load %arg4[%get3A, %get3A_0] : memref<1000x8xf32, #tpu.memory_space<vmem>>, vector<1000x1xf32>
    %add3A = arith.constant 1.000000e+00 : f32
    %add3A_2 = vector.broadcast %add3A : f32 to vector<1000x1xf32>
    %add3A_3 = arith.addf %get3A_1, %add3A_2 : vector<1000x1xf32>
    %rsqrt3A = math.rsqrt %add3A_3 : vector<1000x1xf32>
    %get3A_4 = arith.constant 0 : index
    %get3A_5 = arith.constant 0 : index
    %get3A_6 = arith.constant 0 : index
    %get3A_7 = vector.load %arg1[%get3A_4, %get3A_5, %get3A_6] : memref<2x1000x128xf32, #tpu.memory_space<vmem>>, vector<1x1000x128xf32>
    %get3A_8 = vector.shape_cast %get3A_7 : vector<1x1000x128xf32> to vector<1000x128xf32>
    %get3A_9 = arith.constant 1 : index
    %get3A_10 = arith.constant 0 : index
    %get3A_11 = arith.constant 0 : index
    %get3A_12 = vector.load %arg1[%get3A_9, %get3A_10, %get3A_11] : memref<2x1000x128xf32, #tpu.memory_space<vmem>>, vector<1x1000x128xf32>
    %get3A_13 = vector.shape_cast %get3A_12 : vector<1x1000x128xf32> to vector<1000x128xf32>
    %concatenate3A = tpu.concatenate %get3A_8, %get3A_13 in 1 : vector<1000x128xf32>, vector<1000x128xf32> -> vector<1000x256xf32>
    %get3A_14 = arith.constant 0 : index
    %get3A_15 = arith.constant 0 : index
    %get3A_16 = vector.load %arg2[%get3A_14, %get3A_15] : memref<1000x128xf32, #tpu.memory_space<vmem>>, vector<1000x128xf32>
    %get3A_17 = arith.constant 0 : index
    %get3A_18 = arith.constant 0 : index
    %get3A_19 = vector.load %arg3[%get3A_17, %get3A_18] : memref<1000x128xf32, #tpu.memory_space<vmem>>, vector<1000x128xf32>
    %concatenate3A_20 = tpu.concatenate %get3A_16, %get3A_19 in 1 : vector<1000x128xf32>, vector<1000x128xf32> -> vector<1000x256xf32>
    %add3A_21 = arith.addf %concatenate3A, %concatenate3A_20 : vector<1000x256xf32>
    %mul3A = vector.broadcast %rsqrt3A : vector<1000x1xf32> to vector<1000x256xf32>
    %mul3A_22 = arith.mulf %mul3A, %add3A_21 : vector<1000x256xf32>
    %get3A_23 = arith.constant 0 : index
    %get3A_24 = arith.constant 0 : index
    %get3A_25 = vector.load %arg5[%get3A_23, %get3A_24] : memref<1x256xf32, #tpu.memory_space<vmem>>, vector<1x256xf32>
    %add3A_26 = vector.broadcast %get3A_25 : vector<1x256xf32> to vector<1000x256xf32>
    %add3A_27 = arith.addf %mul3A_22, %add3A_26 : vector<1000x256xf32>
    %swap3A = arith.constant 0 : index
    %swap3A_28 = arith.constant 0 : index
    %swap3A_29 = vector.load %arg6[%swap3A, %swap3A_28] : memref<1000x256xf32, #tpu.memory_space<vmem>>, vector<1000x256xf32>
    tpu.vector_store %arg6[%swap3A, %swap3A_28], %add3A_27 {strides = array<i32>} : memref<1000x256xf32, #tpu.memory_space<vmem>>, vector<1000x256xf32>,
    return
  }
  func.func @transform_0(%arg0: i32) -> (i32, i32, i32) {
    %c0_i32 = arith.constant 0 : i32
    %c0_i32_0 = arith.constant 0 : i32
    %c0_i32_1 = arith.constant 0 : i32
    return %c0_i32, %arg0, %c0_i32_0 : i32, i32, i32
  }
  func.func @transform_1(%arg0: i32) -> (i32, i32) {
    %c0_i32 = arith.constant 0 : i32
    %c0_i32_0 = arith.constant 0 : i32
    return %arg0, %c0_i32 : i32, i32
  }
  func.func @transform_2(%arg0: i32) -> (i32, i32) {
    %c0_i32 = arith.constant 0 : i32
    %c0_i32_0 = arith.constant 0 : i32
    return %arg0, %c0_i32 : i32, i32
  }
  func.func @transform_3(%arg0: i32) -> (i32, i32) {
    %c0_i32 = arith.constant 0 : i32
    %c0_i32_0 = arith.constant 0 : i32
    return %arg0, %c0_i32 : i32, i32
  }
  func.func @transform_4(%arg0: i32) -> (i32, i32) {
    %c0_i32 = arith.constant 0 : i32
    %c0_i32_0 = arith.constant 0 : i32
    %c0_i32_1 = arith.constant 0 : i32
    return %c0_i32, %c0_i32_0 : i32, i32
  }
  func.func @transform_5(%arg0: i32) -> (i32, i32) {
    %c0_i32 = arith.constant 0 : i32
    %c0_i32_0 = arith.constant 0 : i32
    return %arg0, %c0_i32 : i32, i32
  }
}

</mosaic_0001>

<sc_bundles>
// kernel: kernel.11.cloned.1.call-start
scs
__scs_entry_jumppad:
0x0: {  	(pc) =	sbr.rel $0x88, $3  }
0x1: {  	(tag) =	ssettag $0x0;
	lr =	simm.s32 $0x1  }
0x2: {  	[smem:$0x3F9B] =	sst lr;
	_ =	strace $0xD0000000  }
0x3: {  	_ = 	snop  }
0x4: {  	_ = 	snop  }
0x5: {  	_ = 	snop  }
0x6: {  	_ = 	snop  }
0x7: {  	_ = 	snop  }
__scs_overlays_trampoline_lowered:
0x8: {  	[smem:$0x3FAA] =	sst s0  }
0x9: {  	[smem:$0x3FAB] =	sst s1  }
0xa: {  	[smem:$0x3FAC] =	sst s2  }
0xb: {  	[smem:$0x3FAD] =	sst s3  }
0xc: {  	[smem:$0x3FAE] =	sst s4  }
0xd: {  	[smem:$0x3FAF] =	sst s5  }
0xe: {  	[smem:$0x3FB0] =	sst s6  }
0xf: {  	[smem:$0x3FB1] =	sst s7  }
0x10: {  	[smem:$0x3FB2] =	sst s8  }
0x11: {  	[smem:$0x3FB3] =	sst s9;
	s0 =	simm.s32 @!p0 $0x0  }
0x12: {  	s1 =	sld [smem:$0x3F99];
	s0 =	simm.s32 @p0 $0x1  }
0x13: {  	[smem:$0x3FB4] =	sst s0;
	s0 =	simm.s32 @!p1 $0x0  }
0x14: {  	s2 =	sld [smem:$0x3F98];
	s0 =	simm.s32 @p1 $0x1  }
0x15: {  	[smem:$0x3FB5] =	sst s0;
	s0 =	simm.s32 @!p2 $0x0  }
0x16: {  	s3 =	sld [smem:$0x3FDB];
	s0 =	simm.s32 @p2 $0x1  }
0x17: {  	s4 =	simm.s32 $0x1BF5;
	[smem:$0x3FB7] =	sst s0  }
0x18: {  	s0 =	sld [smem:$0x3F9A];
	_ =	swait.ge [sflag:s4], $0x0  }
0x19: {  	s7 =	sld [smem:$0x3F9B]  }
0x1a: {  	s8 =	sadd.s32 $0xFFFFE003, lr  }
0x1b: {  	s9 =	sadd.s32 $0xFFFFFEF7, lr;
	s5 =	simm.s32 $0xFFFFFFFF;
	p2 =	slt.u32 s8, $0xFFFFF086  }
0x1c: {  	p1 =	slt.u32 s9, $0xF7A;
	s5 =	simm.s32 @!p2 $0x0  }
0x1d: {  	s5 =	simm.s32 @p1 $0x1;
	p0 =	seq.s32 s7, s2  }
0x1e: {  	s7 =	smul.u32 @!p0 $0xF7A, s2;
	p2 =	seq.s32 @!p0 s5, $0x0  }
0x1f: {  	s9 =	smul.u32 $0xF7A, s1;
	s8 =	simm.s32 @!p0 $0x1BF5;
	p2 =	por !p2, p0  }
0x20: {  	[sflag:s8] =	ssyncset.s32 @!p0 $0xFFFFF086;
	s6 =	sadd.s32 @!p0 s3, s7;
	s7 =	simm.s32 @!p0 $0x108  }
0x21: {  	s3 =	sadd.s32 s3, s9;
	s6 =	sadd.s32 @!p0 $0x88, s6;
	s7 =	simm.s32 @p2 $0x1082  }
0x22: {  	[simem:s7], [sflag:s8] =	dma.local @!p0 [hbm:s6], $0xF7A  }
0x23: {  	s9 =	sor.u32 $0xD0000000, s2;
	s6 =	simm.s32 $0x108;
	_ =	swait.ge @!p0 [sflag:s8], $0x0  }
0x24: {  	s3 =	sadd.s32 $0x88, s3;
	s6 =	simm.s32 @!p1 $0x1082;
	[sflag:s4] =	ssyncset.s32 $0xFFFFF086  }
0x25: {  	[simem:s6], [sflag:s4] =	dma.local [hbm:s3], $0xF7A  }
0x26: {  	[smem:$0x3F9B] =	sst s1;
	(tag) =	ssettag s2;
	_ =	strace s9  }
0x27: {  	s1 =	sld [smem:$0x3FAB]  }
0x28: {  	s2 =	sld [smem:$0x3FAC]  }
0x29: {  	s4 =	sld [smem:$0x3FAE]  }
0x2a: {  	p0 =	seq.s32 s5, $0x0;
	s5 =	sld [smem:$0x3FAF]  }
0x2b: {  	s6 =	sld [smem:$0x3FB0]  }
0x2c: {  	s7 =	sld [smem:$0x3FB1]  }
0x2d: {  	s3 =	simm.s32 $0x108;
	s8 =	sld [smem:$0x3FB2]  }
0x2e: {  	s3 =	simm.s32 @!p0 $0x1082;
	s9 =	sld [smem:$0x3FB3]  }
0x2f: {  	lr =	sadd.s32 s0, s3;
	s0 =	sld [smem:$0x3FAA]  }
0x30: {  	s3 =	sld [smem:$0x3FAD]  }
0x31: {  	[smem:$0x3FB6] =	sst s10  }
0x32: {  	s10 =	sld [smem:$0x3FB4];
	_ =	sdelay $0x3  }
0x33: {  	p0 =	seq.s32 s10, $0x1;
	s10 =	sld [smem:$0x3FB6];
	_ =	sdelay $0x3  }
0x34: {  	[smem:$0x3FB6] =	sst s10  }
0x35: {  	s10 =	sld [smem:$0x3FB5];
	_ =	sdelay $0x3  }
0x36: {  	p1 =	seq.s32 s10, $0x1;
	s10 =	sld [smem:$0x3FB6];
	_ =	sdelay $0x3  }
0x37: {  	[smem:$0x3FB6] =	sst s10  }
0x38: {  	s10 =	sld [smem:$0x3FB7]  }
0x39: {  	_ = 	snop;
	(pc) =	sbr.ind lr, $3  }
0x3a: {  	_ = 	snop  }
0x3b: {  	_ = 	snop  }
0x3c: {  	p2 =	seq.s32 s10, $0x1;
	s10 =	sld [smem:$0x3FB6]  }
0x3d: {  	_ =	shalt  }
0x3e: {  	_ =	shalt  }
0x3f: {  	_ =	shalt  }
0x40: {  	_ =	shalt  }
0x41: {  	_ =	shalt  }
0x42: {  	_ =	shalt  }
0x43: {  	_ =	shalt  }
0x44: {  	_ =	shalt  }
0x45: {  	_ =	shalt  }
0x46: {  	_ =	shalt  }
0x47: {  	_ =	shalt  }
0x48: {  	_ =	shalt  }
0x49: {  	_ =	shalt  }
0x4a: {  	_ =	shalt  }
0x4b: {  	_ =	shalt  }
0x4c: {  	_ =	shalt  }
0x4d: {  	_ =	shalt  }
0x4e: {  	_ =	shalt  }
0x4f: {  	_ =	shalt  }
0x50: {  	_ =	shalt  }
0x51: {  	_ =	shalt  }
0x52: {  	_ =	shalt  }
0x53: {  	_ =	shalt  }
0x54: {  	_ =	shalt  }
0x55: {  	_ =	shalt  }
0x56: {  	_ =	shalt  }
0x57: {  	_ =	shalt  }
0x58: {  	_ =	shalt  }
0x59: {  	_ =	shalt  }
0x5a: {  	_ =	shalt  }
0x5b: {  	_ =	shalt  }
0x5c: {  	_ =	shalt  }
0x5d: {  	_ =	shalt  }
0x5e: {  	_ =	shalt  }
0x5f: {  	_ =	shalt  }
0x60: {  	_ =	shalt  }
0x61: {  	_ =	shalt  }
0x62: {  	_ =	shalt  }
0x63: {  	_ =	shalt  }
0x64: {  	_ =	shalt  }
0x65: {  	_ =	shalt  }
0x66: {  	_ =	shalt  }
0x67: {  	_ =	shalt  }
0x68: {  	_ =	shalt  }
0x69: {  	_ =	shalt  }
0x6a: {  	_ =	shalt  }
0x6b: {  	_ =	shalt  }
0x6c: {  	_ =	shalt  }
0x6d: {  	_ =	shalt  }
0x6e: {  	_ =	shalt  }
0x6f: {  	_ =	shalt  }
0x70: {  	_ =	shalt  }
0x71: {  	_ =	shalt  }
0x72: {  	_ =	shalt  }
0x73: {  	_ =	shalt  }
0x74: {  	_ =	shalt  }
0x75: {  	_ =	shalt  }
0x76: {  	_ =	shalt  }
0x77: {  	_ =	shalt  }
0x78: {  	_ =	shalt  }
0x79: {  	_ =	shalt  }
0x7a: {  	_ =	shalt  }
0x7b: {  	_ =	shalt  }
0x7c: {  	_ =	shalt  }
0x7d: {  	_ =	shalt  }
0x7e: {  	_ =	shalt  }
0x7f: {  	_ =	shalt  }
0x80: {  	_ =	shalt  }
0x81: {  	_ =	shalt  }
0x82: {  	_ =	shalt  }
0x83: {  	_ =	shalt  }
0x84: {  	_ =	shalt  }
0x85: {  	_ =	shalt  }
0x86: {  	_ =	shalt  }
0x87: {  	_ =	shalt  }
.Lfunc_end0:
.L_simem_size_0:
called_computation.1_lowered:
.L_overlay_start_0:
0x88: {  	s2 =	sld [smem:$0x3FD9]  }
0x89: {  	s3 =	sld [smem:$0x3FFE];
	_ =	sdelay $0x1  }
0x8a: {  	s1 =	srdreg.scid  }
0x8b: {  	s0 =	sand.u32 $0x1, s1  }
0x8c: {  	s17 =	sshll.u32 s0, $0xA;
	s2 =	sadd.s32 s3, s2  }
0x8d: {  	s2 =	sadd.s32 s2, s17  }
0x8e: {  	[smem:$0x3FC2] =	sst s2  }
0x8f: {  	_ = 	snop  }
0x90: {  	s2 =	sld [smem:$0x3FD0];
	(tm) =	ssettm $0x1  }
0x91: {  	s18 =	sld [smem:$0x3FFB];
	_ =	sdelay $0x3  }
0x92: {  	_ =	strace s18  }
0x93: {  	s3 =	sld [smem:$0x3FFC];
	_ =	sdelay $0x3  }
0x94: {  	_ =	strace s3  }
0x95: {  	s3 =	sld [smem:$0x3FFD];
	_ =	sdelay $0x3  }
0x96: {  	_ =	strace s3  }
0x97: {  	_ =	strace $0x8FFFFFFF  }
0x98: {  	s19 =	sld [smem:$0x3FDB];
	_ =	sdelay $0x1  }
0x99: {  	s4 =	simm.s32 $_scs_section_size  }
0x9a: {  	s5 =	simm.s32 $_size__tile_overlayer_lowered;
	s6 =	simm.s32 $_tile_overlayer_lowered  }
0x9b: {  	s22 =	simm.s32 $0x1BFF;
	s21 =	sshll.u32 s6, $0x1;
	s3 =	sadd.s32 s4, s19  }
0x9c: {  	s7 =	simm.s32 $0x0;
	s20 =	sshll.u32 s5, $0x1;
	s5 =	sadd.s32 s21, s3  }
0x9d: {  	[timem:s7], [sflag:s22] =	dma.local [hbm:s5], s20  }
0x9e: {  	_ =	swait.ge [sflag:s22], s20  }
0x9f: {  	s4 =	ssub.s32 $0x0, s20;
	[sflag:s22] =	ssyncset.done $0x0  }
0xa0: {  	[sflag:s22] =	ssyncadd.s32 s4;
	_ =	sdelay $0x1  }
0xa1: {  	s23 =	simm.s32 $0x1B8B  }
0xa2: {  	_ =	swait.ge [sflag:s23], $0x1  }
0xa3: {  	[sflag:s23] =	ssyncset.done $0x0  }
0xa4: {  	s25 =	simm.s32 $0x1B8E;
	s24 =	sld [smem:$0x3FFE];
	[sflag:s23] =	ssyncadd.s32 $0xFFFFFFFF  }
0xa5: {  	s26 =	simm.s32 $execute0_lowered;
	[smem:$0x3FD2] =	sst s25  }
0xa6: {  	s5 =	sshll.u32 s26, $0x1;
	_ =	strace $0x80000049;
	[dreg:$0x1] =	wrdreg $0xFFFFFFFF  }
0xa7: {  	s28 =	simm.s32 $_size_execute0_lowered;
	s3 =	sadd.s32 s3, s5;
	[dreg:$0x0] =	wrdreg $0x0  }
0xa8: {  	s5 =	sshll.u32 s28, $0x1;
	[dreg:$0x2] =	wrdreg s3  }
0xa9: {  	[dreg:$0x3] =	wrdreg s5  }
0xaa: {  	[dreg:$0x4] =	wrdreg $0xC0  }
0xab: {  	_ =	task [dreg:s7], $0x5FFFF  }
0xac: {  	[dreg:$0x1] =	wrdreg $0xFFFFFFFF  }
0xad: {  	[dreg:$0x0] =	wrdreg $0x60  }
0xae: {  	[dreg:$0x2] =	wrdreg s24  }
0xaf: {  	[dreg:$0x3] =	wrdreg s2  }
0xb0: {  	[dreg:$0x4] =	wrdreg $0x82000  }
0xb1: {  	[dreg:$0x5] =	wrdreg $0x9  }
0xb2: {  	_ =	task.clear_ibuf [dreg:s7], $0x6FFFF;
	_ =	strace $0x90000049  }
0xb3: {  	s29 =	simm.s32 $0x9;
	_ =	strace $0x8000004B  }
0xb4: {  	_ =	swait.ge [sflag:s29], $0x1  }
0xb5: {  	[sflag:s29] =	ssyncadd.s32 $0xFFFFFFFF  }
0xb6: {  	_ =	strace $0x9000004B  }
0xb7: {  	_ =	sfence  }
0xb8: {  	s30 =	sld [smem:$0x0];
	_ =	sdelay $0x2  }
0xb9: {  	s31 =	sshll.u32 s1, $0xD;
	s1 =	sshrl.u32 s1, $0x2  }
0xba: {  	s3 =	sand.u32 $0x4000, s31;
	s1 =	sadd.s32 s1, s30  }
0xbb: {  	s0 =	sor.u32 s3, s0;
	s1 =	sshll.u32 s1, $0x11  }
0xbc: {  	s0 =	sor.u32 s1, s0  }
0xbd: {  	s0 =	sadd.s32 $0x8F2B, s0  }
0xbe: {  	[sflag:s0] =	ssyncadd.remote.s32 $0x1  }
0xbf: {  	_ =	sfence.sel $0xFFFF  }
0xc0: {  	[dreg:$0x0] =	wrdreg $0xFFFFFFFF;
	(pc) =	sbr.abs _section_cstart, $3  }
0xc1: {  	[dreg:$0x1] =	wrdreg $0xFFFFFFFF  }
0xc2: {  	_ =	task.clear_ibuf [dreg:s7], $0x2FFFF;
	_ =	strace $0x9FFFFFFF  }
0xc3: {  	(tm) =	ssettm $0x7FFFFFFF  }
tec
execute0_lowered:
.L_overlay_start_1:
0x0: {  	(tag) =	ssettag $0x1  }
0x1: {  	s7 =	rddreg [dreg:$0x0]  }
0x2: {  	s2 =	rddreg [dreg:$0x1]  }
0x3: {  	s3 =	rddreg [dreg:$0x2];
	s1 =	stileid.u32;
	s4 =	simm.s32 $0x0  }
0x4: {  	s6 =	srdreg.scid;
	s16 =	simm.s32 $0x1;
	s17 =	simm.s32 $0x80  }
0x5: {  	s18 =	simm.s32 $0x200;
	s19 =	simm.s32 $0x2;
	s20 =	simm.s32 $0x4200  }
0x6: {  	s21 =	simm.s32 $0x3;
	s22 =	simm.s32 $0x4;
	s23 =	simm.s32 $0x180  }
0x7: {  	s24 =	simm.s32 $0x5;
	s26 =	simm.s32 $0x6;
	s28 =	simm.s32 $0x0  }
0x8: {  	s5 =	smul.u32 $0x13C0, s1;
	[smem:$0x7FF] =	sst s4;
	s13 =	sand.u32 $0x1, s6  }
0x9: {  	s8 =	smul.u32 $0x4E400, s1;
	s6 =	sadd.s32 $0x66200, s7;
	s31 =	sshll.u32 s1, $0x6  }
0xa: {  	_ =	strace $0x8000004A;
	s9 =	ssub.s32 $0x2, s13;
	p0 =	sne.s32 s13, $0x0  }
0xb: {  	s12 =	sadd.s32 s5, s7;
	s11 =	sshrl.u32 s8, $0x2;
	s8 =	smul.u32 $0x13880, s1  }
.Ltmp0:
0xc: {  	s5 =	sadd.s32 $0x3F000, s7;
	s10 =	sshrl.u32 s9, $0x1;
	(pc) =	sbr.rel .LBB2_1-.Ltmp0, $4  }
0xd: {  	s7 =	sadd.s32 $0x8D400, s7;
	s14 =	ssub.s32 s9, s10;
	s15 =	sadd.s32 s11, s3  }
0xe: {  	s9 =	sor.u32 $0x1C07, s31;
	s12 =	sadd.s32 $0x4200, s12;
	s10 =	sadd.s32 $0x138800, s8  }
0xf: {  	s25 =	sadd.s32 s8, s3;
	s11 =	smax.u32 s14, $0x1;
	s13 =	sshrl.u32 s15, $0x3  }
0x10: {  	s14 =	simm.s32 $0x7;
	s15 =	simm.s32 $0x100;
	s25 =	sshrl.u32 s25, $0x3  }
.LBB2_7:
0x11: {  	s0 =	sadd.s32 s29, s12;
	[sflag:s26] =	ssyncadd.s32 $0xFFFFC000  }
0x12: {  	[tilespmem:s4], [sflag:$0x1] =	stream.linear.gather [hbm4b:s0+s4], $0x100, $0x38;
	[tilespmem:$0x1BB00] =	vst v63  }
0x13: {  	s0 =	sadd.s32 $0x20, s0  }
0x14: {  	[tilespmem:s15], [sflag:$0x2] =	stream.linear.gather [hbm4b:s0+s4], $0x100, $0x38;
	[tilespmem:$0x1BB00] =	vst v63  }
0x15: {  	_ =	swait.ge [sflag:s16], $0x100  }
0x16: {  	[sflag:s16] =	ssyncset.done $0x0  }
0x17: {  	[sflag:s16] =	ssyncadd.s32 $0xFFFFFF00  }
0x18: {  	[tilespmem:s18], [sflag:$0x3] =	stream.indirect.gather [hbm4b:s6+s17], $0x80, s4, s17, $0xb8;
	[tilespmem:$0x1BB00] =	vst v63  }
0x19: {  	_ =	swait.ge [sflag:s19], $0x100  }
0x1a: {  	[sflag:s19] =	ssyncset.done $0x0  }
0x1b: {  	[sflag:s19] =	ssyncadd.s32 $0xFFFFFF00  }
0x1c: {  	[tilespmem:s20], [sflag:$0x4] =	stream.indirect.gather [hbm4b:s6+s17], $0x80, s15, s17, $0xb8;
	[tilespmem:$0x1BB00] =	vst v63  }
0x1d: {  	_ =	swait.ge [sflag:s21], $0x4000  }
0x1e: {  	[sflag:s21] =	ssyncset.done $0x0  }
0x1f: {  	[sflag:s21] =	ssyncadd.s32 $0xFFFFC000  }
0x20: {  	[spmem:s3] =	stream.indirect.scatter.add.f32 [tilespmem:s18], [sflag:$0x5], $0x80, s17, s17, $0xb8;
	[tilespmem:$0x1BB00] =	vst v63  }
0x21: {  	_ =	swait.ge [sflag:s22], $0x4000  }
0x22: {  	[sflag:s22] =	ssyncset.done $0x0  }
0x23: {  	[sflag:s22] =	ssyncadd.s32 $0xFFFFC000  }
0x24: {  	[spmem:s3] =	stream.indirect.scatter.add.f32 [tilespmem:s20], [sflag:$0x6], $0x80, s23, s17, $0xb8;
	[tilespmem:$0x1BB00] =	vst v63  }
0x25: {  	_ =	swait.ge [sflag:s24], $0x4000  }
0x26: {  	[sflag:s24] =	ssyncset.done $0x0  }
0x27: {  	[sflag:s24] =	ssyncadd.s32 $0xFFFFC000  }
0x28: {  	_ =	swait.ge [sflag:s26], $0x4000  }
0x29: {  	[sflag:s26] =	ssyncset.done $0x0  }
0x2a: {  	s29 =	smov.u32 s10;
	[sflag:s26] =	ssyncadd.s32 $0xFFFFC000  }
.LBB2_8:
0x2b: {  	s28 =	sadd.s32 $0x1, s28  }
0x2c: {  	s0 =	sshrl.u32 s29, $0x3;
	p1 =	sne.s32 s28, s11  }
.Ltmp1:
0x2d: {  	[bflag:$0x0] =	sbarrier.arrive $0xFFFF;
	s0 =	sadd.s32 s2, s0;
	(pc) =	sbr.rel @!p1 .LBB2_9-.Ltmp1, $4  }
0x2e: {  	[hbm:s0], [sflag:s9] =	dma.local [spmem:s25], $0x2710  }
0x2f: {  	_ =	swait.ge [sflag:s14], $0x2710  }
0x30: {  	[sflag:s14] =	ssyncset.done $0x0  }
0x31: {  	[sflag:s14] =	ssyncadd.s32 $0xFFFFD8F0  }
.LBB2_1:
0x32: {  	[spmem:s13], [sflag:s9] =	dma.local [hbm:s7], $0x2720  }
.Ltmp2:
0x33: {  	_ =	swait.ge [sflag:s14], $0x2720;
	(pc) =	sbr.rel @p0 .LBB2_5-.Ltmp2, $3  }
0x34: {  	[sflag:s14] =	ssyncset.done $0x0  }
0x35: {  	[sflag:s14] =	ssyncadd.s32 $0xFFFFD8E0  }
0x36: {  	[bflag:$0x0] =	sbarrier.arrive $0xFFFF;
	_ =	sdelay $0x1  }
0x37: {  	s29 =	sadd.s32 $0x0, s12  }
0x38: {  	[tilespmem:s4], [sflag:$0x1] =	stream.linear.gather [hbm4b:s29+s4], $0x100, $0x38;
	[tilespmem:$0x1BB00] =	vst v63  }
0x39: {  	s29 =	sadd.s32 $0x20, s29  }
0x3a: {  	[tilespmem:s15], [sflag:$0x2] =	stream.linear.gather [hbm4b:s29+s4], $0x100, $0x38;
	[tilespmem:$0x1BB00] =	vst v63  }
0x3b: {  	_ =	swait.ge [sflag:s16], $0x100  }
0x3c: {  	[sflag:s16] =	ssyncset.done $0x0  }
0x3d: {  	[sflag:s16] =	ssyncadd.s32 $0xFFFFFF00  }
0x3e: {  	[tilespmem:s18], [sflag:$0x3] =	stream.indirect.gather [hbm4b:s5+s17], $0x80, s4, s17, $0xb8;
	[tilespmem:$0x1BB00] =	vst v63  }
0x3f: {  	_ =	swait.ge [sflag:s19], $0x100  }
0x40: {  	[sflag:s19] =	ssyncset.done $0x0  }
0x41: {  	[sflag:s19] =	ssyncadd.s32 $0xFFFFFF00  }
0x42: {  	[tilespmem:s20], [sflag:$0x4] =	stream.indirect.gather [hbm4b:s5+s17], $0x80, s15, s17, $0xb8;
	[tilespmem:$0x1BB00] =	vst v63  }
0x43: {  	_ =	swait.ge [sflag:s21], $0x4000  }
0x44: {  	[sflag:s21] =	ssyncset.done $0x0  }
0x45: {  	[sflag:s21] =	ssyncadd.s32 $0xFFFFC000  }
0x46: {  	[spmem:s3] =	stream.indirect.scatter.add.f32 [tilespmem:s18], [sflag:$0x5], $0x80, s17, s17, $0xb8;
	[tilespmem:$0x1BB00] =	vst v63  }
0x47: {  	_ =	swait.ge [sflag:s22], $0x4000  }
0x48: {  	[sflag:s22] =	ssyncset.done $0x0  }
0x49: {  	[sflag:s22] =	ssyncadd.s32 $0xFFFFC000  }
0x4a: {  	[spmem:s3] =	stream.indirect.scatter.add.f32 [tilespmem:s20], [sflag:$0x6], $0x80, s23, s17, $0xb8;
	[tilespmem:$0x1BB00] =	vst v63  }
0x4b: {  	_ =	swait.ge [sflag:s24], $0x4000  }
0x4c: {  	[sflag:s24] =	ssyncset.done $0x0  }
0x4d: {  	[sflag:s24] =	ssyncadd.s32 $0xFFFFC000  }
0x4e: {  	_ =	swait.ge [sflag:s26], $0x4000  }
0x4f: {  	s30 =	simm.s32 $0x80;
	s29 =	simm.s32 $0x40;
	[sflag:s26] =	ssyncset.done $0x0  }
.LBB2_3:
0x50: {  	s31 =	sadd.s32 s29, s12  }
0x51: {  	[sflag:s26] =	ssyncadd.s32 $0xFFFFC000;
	s29 =	smov.u32 s30;
	s0 =	sadd.s32 $0x40, s30  }
0x52: {  	[tilespmem:s4], [sflag:$0x1] =	stream.linear.gather [hbm4b:s31+s4], $0x100, $0x38;
	[tilespmem:$0x1BB00] =	vst v63  }
0x53: {  	p1 =	seq.s32 s30, $0x1380;
	s30 =	sadd.s32 $0x20, s31  }
0x54: {  	[tilespmem:s15], [sflag:$0x2] =	stream.linear.gather [hbm4b:s30+s4], $0x100, $0x38;
	[tilespmem:$0x1BB00] =	vst v63  }
0x55: {  	_ =	swait.ge [sflag:s16], $0x100  }
0x56: {  	[sflag:s16] =	ssyncset.done $0x0  }
0x57: {  	[sflag:s16] =	ssyncadd.s32 $0xFFFFFF00  }
0x58: {  	[tilespmem:s18], [sflag:$0x3] =	stream.indirect.gather [hbm4b:s5+s17], $0x80, s4, s17, $0xb8;
	[tilespmem:$0x1BB00] =	vst v63  }
0x59: {  	_ =	swait.ge [sflag:s19], $0x100  }
0x5a: {  	[sflag:s19] =	ssyncset.done $0x0  }
0x5b: {  	[sflag:s19] =	ssyncadd.s32 $0xFFFFFF00  }
0x5c: {  	[tilespmem:s20], [sflag:$0x4] =	stream.indirect.gather [hbm4b:s5+s17], $0x80, s15, s17, $0xb8;
	[tilespmem:$0x1BB00] =	vst v63  }
0x5d: {  	_ =	swait.ge [sflag:s21], $0x4000  }
0x5e: {  	[sflag:s21] =	ssyncset.done $0x0  }
0x5f: {  	[sflag:s21] =	ssyncadd.s32 $0xFFFFC000  }
0x60: {  	[spmem:s3] =	stream.indirect.scatter.add.f32 [tilespmem:s18], [sflag:$0x5], $0x80, s17, s17, $0xb8;
	[tilespmem:$0x1BB00] =	vst v63  }
0x61: {  	_ =	swait.ge [sflag:s22], $0x4000  }
0x62: {  	[sflag:s22] =	ssyncset.done $0x0  }
0x63: {  	[sflag:s22] =	ssyncadd.s32 $0xFFFFC000  }
0x64: {  	[spmem:s3] =	stream.indirect.scatter.add.f32 [tilespmem:s20], [sflag:$0x6], $0x80, s23, s17, $0xb8;
	[tilespmem:$0x1BB00] =	vst v63  }
.Ltmp3:
0x65: {  	_ =	swait.ge [sflag:s24], $0x4000;
	(pc) =	sbr.rel @!p1 .LBB2_3-.Ltmp3, $4  }
0x66: {  	[sflag:s24] =	ssyncset.done $0x0  }
0x67: {  	[sflag:s24] =	ssyncadd.s32 $0xFFFFC000  }
0x68: {  	_ =	swait.ge [sflag:s26], $0x4000  }
0x69: {  	s30 =	smov.u32 s0;
	[sflag:s26] =	ssyncset.done $0x0  }
0x6a: {  	s0 =	sadd.s32 s29, s12;
	[sflag:s26] =	ssyncadd.s32 $0xFFFFC000  }
0x6b: {  	[tilespmem:s4], [sflag:$0x1] =	stream.linear.gather [hbm4b:s0+s4], $0x100, $0x38;
	[tilespmem:$0x1BB00] =	vst v63  }
0x6c: {  	s0 =	sadd.s32 $0x20, s0  }
0x6d: {  	[tilespmem:s15], [sflag:$0x2] =	stream.linear.gather [hbm4b:s0+s4], $0x100, $0x38;
	[tilespmem:$0x1BB00] =	vst v63  }
0x6e: {  	_ =	swait.ge [sflag:s16], $0x100  }
0x6f: {  	[sflag:s16] =	ssyncset.done $0x0  }
0x70: {  	[sflag:s16] =	ssyncadd.s32 $0xFFFFFF00  }
0x71: {  	[tilespmem:s18], [sflag:$0x3] =	stream.indirect.gather [hbm4b:s5+s17], $0x80, s4, s17, $0xb8;
	[tilespmem:$0x1BB00] =	vst v63  }
0x72: {  	_ =	swait.ge [sflag:s19], $0x100  }
0x73: {  	[sflag:s19] =	ssyncset.done $0x0  }
0x74: {  	[sflag:s19] =	ssyncadd.s32 $0xFFFFFF00  }
0x75: {  	[tilespmem:s20], [sflag:$0x4] =	stream.indirect.gather [hbm4b:s5+s17], $0x80, s15, s17, $0xb8;
	[tilespmem:$0x1BB00] =	vst v63  }
0x76: {  	_ =	swait.ge [sflag:s21], $0x4000  }
0x77: {  	[sflag:s21] =	ssyncset.done $0x0  }
0x78: {  	[sflag:s21] =	ssyncadd.s32 $0xFFFFC000  }
0x79: {  	[spmem:s3] =	stream.indirect.scatter.add.f32 [tilespmem:s18], [sflag:$0x5], $0x80, s17, s17, $0xb8;
	[tilespmem:$0x1BB00] =	vst v63  }
0x7a: {  	_ =	swait.ge [sflag:s22], $0x4000  }
0x7b: {  	[sflag:s22] =	ssyncset.done $0x0  }
0x7c: {  	[sflag:s22] =	ssyncadd.s32 $0xFFFFC000  }
0x7d: {  	[spmem:s3] =	stream.indirect.scatter.add.f32 [tilespmem:s20], [sflag:$0x6], $0x80, s23, s17, $0xb8;
	[tilespmem:$0x1BB00] =	vst v63  }
0x7e: {  	_ =	swait.ge [sflag:s24], $0x4000  }
.Ltmp4:
0x7f: {  	[sflag:s24] =	ssyncset.done $0x0;
	(pc) =	sbr.rel .LBB2_8-.Ltmp4, $4  }
0x80: {  	[sflag:s24] =	ssyncadd.s32 $0xFFFFC000  }
0x81: {  	_ =	swait.ge [sflag:s26], $0x4000  }
0x82: {  	[sflag:s26] =	ssyncset.done $0x0  }
0x83: {  	s29 =	smov.u32 s8;
	[sflag:s26] =	ssyncadd.s32 $0xFFFFC000  }
.LBB2_5:
0x84: {  	s0 =	sadd.s32 $0x0, s12  }
0x85: {  	[tilespmem:s4], [sflag:$0x1] =	stream.linear.gather [hbm4b:s0+s4], $0x100, $0x38;
	[tilespmem:$0x1BB00] =	vst v63  }
0x86: {  	s0 =	sadd.s32 $0x20, s0  }
0x87: {  	[tilespmem:s15], [sflag:$0x2] =	stream.linear.gather [hbm4b:s0+s4], $0x100, $0x38;
	[tilespmem:$0x1BB00] =	vst v63  }
0x88: {  	_ =	swait.ge [sflag:s16], $0x100  }
0x89: {  	[sflag:s16] =	ssyncset.done $0x0  }
0x8a: {  	[sflag:s16] =	ssyncadd.s32 $0xFFFFFF00  }
0x8b: {  	[tilespmem:s18], [sflag:$0x3] =	stream.indirect.gather [hbm4b:s6+s17], $0x80, s4, s17, $0xb8;
	[tilespmem:$0x1BB00] =	vst v63  }
0x8c: {  	_ =	swait.ge [sflag:s19], $0x100  }
0x8d: {  	[sflag:s19] =	ssyncset.done $0x0  }
0x8e: {  	[sflag:s19] =	ssyncadd.s32 $0xFFFFFF00  }
0x8f: {  	[tilespmem:s20], [sflag:$0x4] =	stream.indirect.gather [hbm4b:s6+s17], $0x80, s15, s17, $0xb8;
	[tilespmem:$0x1BB00] =	vst v63  }
0x90: {  	_ =	swait.ge [sflag:s21], $0x4000  }
0x91: {  	[sflag:s21] =	ssyncset.done $0x0  }
0x92: {  	[sflag:s21] =	ssyncadd.s32 $0xFFFFC000  }
0x93: {  	[spmem:s3] =	stream.indirect.scatter.add.f32 [tilespmem:s18], [sflag:$0x5], $0x80, s17, s17, $0xb8;
	[tilespmem:$0x1BB00] =	vst v63  }
0x94: {  	_ =	swait.ge [sflag:s22], $0x4000  }
0x95: {  	[sflag:s22] =	ssyncset.done $0x0  }
0x96: {  	[sflag:s22] =	ssyncadd.s32 $0xFFFFC000  }
0x97: {  	[spmem:s3] =	stream.indirect.scatter.add.f32 [tilespmem:s20], [sflag:$0x6], $0x80, s23, s17, $0xb8;
	[tilespmem:$0x1BB00] =	vst v63  }
0x98: {  	_ =	swait.ge [sflag:s24], $0x4000  }
0x99: {  	[sflag:s24] =	ssyncset.done $0x0  }
0x9a: {  	[sflag:s24] =	ssyncadd.s32 $0xFFFFC000  }
0x9b: {  	_ =	swait.ge [sflag:s26], $0x4000  }
0x9c: {  	s29 =	simm.s32 $0x40;
	s30 =	simm.s32 $0x80;
	[sflag:s26] =	ssyncset.done $0x0  }
.LBB2_6:
0x9d: {  	s0 =	sadd.s32 s29, s12  }
0x9e: {  	[sflag:s26] =	ssyncadd.s32 $0xFFFFC000;
	s29 =	smov.u32 s30;
	s31 =	sadd.s32 $0x40, s30  }
0x9f: {  	[tilespmem:s4], [sflag:$0x1] =	stream.linear.gather [hbm4b:s0+s4], $0x100, $0x38;
	[tilespmem:$0x1BB00] =	vst v63  }
0xa0: {  	p1 =	sne.s32 s30, $0x1380;
	s0 =	sadd.s32 $0x20, s0  }
0xa1: {  	[tilespmem:s15], [sflag:$0x2] =	stream.linear.gather [hbm4b:s0+s4], $0x100, $0x38;
	[tilespmem:$0x1BB00] =	vst v63  }
0xa2: {  	_ =	swait.ge [sflag:s16], $0x100  }
0xa3: {  	[sflag:s16] =	ssyncset.done $0x0  }
0xa4: {  	[sflag:s16] =	ssyncadd.s32 $0xFFFFFF00  }
0xa5: {  	[tilespmem:s18], [sflag:$0x3] =	stream.indirect.gather [hbm4b:s6+s17], $0x80, s4, s17, $0xb8;
	[tilespmem:$0x1BB00] =	vst v63  }
0xa6: {  	_ =	swait.ge [sflag:s19], $0x100  }
0xa7: {  	[sflag:s19] =	ssyncset.done $0x0  }
0xa8: {  	[sflag:s19] =	ssyncadd.s32 $0xFFFFFF00  }
0xa9: {  	[tilespmem:s20], [sflag:$0x4] =	stream.indirect.gather [hbm4b:s6+s17], $0x80, s15, s17, $0xb8;
	[tilespmem:$0x1BB00] =	vst v63  }
0xaa: {  	_ =	swait.ge [sflag:s21], $0x4000  }
0xab: {  	[sflag:s21] =	ssyncset.done $0x0  }
0xac: {  	[sflag:s21] =	ssyncadd.s32 $0xFFFFC000  }
0xad: {  	[spmem:s3] =	stream.indirect.scatter.add.f32 [tilespmem:s18], [sflag:$0x5], $0x80, s17, s17, $0xb8;
	[tilespmem:$0x1BB00] =	vst v63  }
0xae: {  	_ =	swait.ge [sflag:s22], $0x4000  }
0xaf: {  	[sflag:s22] =	ssyncset.done $0x0  }
0xb0: {  	[sflag:s22] =	ssyncadd.s32 $0xFFFFC000  }
0xb1: {  	[spmem:s3] =	stream.indirect.scatter.add.f32 [tilespmem:s20], [sflag:$0x6], $0x80, s23, s17, $0xb8;
	[tilespmem:$0x1BB00] =	vst v63  }
.Ltmp5:
0xb2: {  	_ =	swait.ge [sflag:s24], $0x4000;
	(pc) =	sbr.rel @p1 .LBB2_6-.Ltmp5, $4  }
0xb3: {  	[sflag:s24] =	ssyncset.done $0x0  }
0xb4: {  	[sflag:s24] =	ssyncadd.s32 $0xFFFFC000  }
0xb5: {  	_ =	swait.ge [sflag:s26], $0x4000  }
0xb6: {  	s30 =	smov.u32 s31;
	[sflag:s26] =	ssyncset.done $0x0  }
.Ltmp6:
0xb7: {  	_ = 	snop;
	(pc) =	sbr.rel .LBB2_7-.Ltmp6, $1  }
0xb8: {  	_ =	sdelay $0x3  }
.LBB2_9:
0xb9: {  	_ =	sfence.sel $0x180000  }
0xba: {  	[bflag:$0x0] =	sbarrier.arrive $0xFFFF  }
0xbb: {  	_ =	strace $0x9000004A  }
0xbc: {  	[bflag:$0x2] =	sbarrier.arrive $0xFFFF  }
0xbd: {  	p0 =	sne.s32 s1, $0x0;
	s0 =	rddreg [dreg:$0x3]  }
0xbe: {  	s0 =	sadd.s32 @!p0 $0x100000, s0  }
0xbf: {  	[sflag:s0] =	ssyncadd.tile.s32 @!p0 $0x1;
	_ =	shalt  }
.Lfunc_end2:
_tile_overlayer_lowered:
.L_overlay_start_2:
0xc0: {  	(tag) =	ssettag $0x2  }
0xc1: {  	s0 =	rddreg [dreg:$0x0];
	s2 =	stileid.u32  }
0xc2: {  	s1 =	rddreg [dreg:$0x1];
	p0 =	sne.s32 s2, $0x0  }
0xc3: {  	s3 =	rddreg [dreg:$0x2];
	[bflag:$0x3] =	sbarrier.arrive $0xFFFF;
	s2 =	simm.s32 @!p0 $0x1C07  }
0xc4: {  	[timem:s3], [sflag:s2] =	dma.local @!p0 [hbm:s0], s1  }
0xc5: {  	s0 =	simm.s32 @!p0 $0x7  }
0xc6: {  	_ =	swait.ge @!p0 [sflag:s0], s1  }
0xc7: {  	s1 =	ssub.s32 @!p0 $0x0, s1;
	[sflag:s0] =	ssyncset.done @!p0 $0x0  }
0xc8: {  	[sflag:s0] =	ssyncadd.s32 @!p0 s1  }
0xc9: {  	[bflag:$0x3] =	sbarrier.arrive $0xFFFF  }
0xca: {  	_ =	shalt  }

// kernel: kernel.14.cloned.1.call-start
scs
__scs_entry_jumppad:
0x0: {  	(pc) =	sbr.rel $0x88, $3  }
0x1: {  	(tag) =	ssettag $0x0;
	lr =	simm.s32 $0x1  }
0x2: {  	[smem:$0x3F9B] =	sst lr;
	_ =	strace $0xD0000000  }
0x3: {  	_ = 	snop  }
0x4: {  	_ = 	snop  }
0x5: {  	_ = 	snop  }
0x6: {  	_ = 	snop  }
0x7: {  	_ = 	snop  }
__scs_overlays_trampoline_lowered:
0x8: {  	[smem:$0x3FAA] =	sst s0  }
0x9: {  	[smem:$0x3FAB] =	sst s1  }
0xa: {  	[smem:$0x3FAC] =	sst s2  }
0xb: {  	[smem:$0x3FAD] =	sst s3  }
0xc: {  	[smem:$0x3FAE] =	sst s4  }
0xd: {  	[smem:$0x3FAF] =	sst s5  }
0xe: {  	[smem:$0x3FB0] =	sst s6  }
0xf: {  	[smem:$0x3FB1] =	sst s7  }
0x10: {  	[smem:$0x3FB2] =	sst s8  }
0x11: {  	[smem:$0x3FB3] =	sst s9;
	s0 =	simm.s32 @!p0 $0x0  }
0x12: {  	s1 =	sld [smem:$0x3F99];
	s0 =	simm.s32 @p0 $0x1  }
0x13: {  	[smem:$0x3FB4] =	sst s0;
	s0 =	simm.s32 @!p1 $0x0  }
0x14: {  	s2 =	sld [smem:$0x3F98];
	s0 =	simm.s32 @p1 $0x1  }
0x15: {  	[smem:$0x3FB5] =	sst s0;
	s0 =	simm.s32 @!p2 $0x0  }
0x16: {  	s3 =	sld [smem:$0x3FDB];
	s0 =	simm.s32 @p2 $0x1  }
0x17: {  	s4 =	simm.s32 $0x1BF5;
	[smem:$0x3FB7] =	sst s0  }
0x18: {  	s0 =	sld [smem:$0x3F9A];
	_ =	swait.ge [sflag:s4], $0x0  }
0x19: {  	s7 =	sld [smem:$0x3F9B]  }
0x1a: {  	s8 =	sadd.s32 $0xFFFFE003, lr  }
0x1b: {  	s9 =	sadd.s32 $0xFFFFFEF7, lr;
	s5 =	simm.s32 $0xFFFFFFFF;
	p2 =	slt.u32 s8, $0xFFFFF086  }
0x1c: {  	p1 =	slt.u32 s9, $0xF7A;
	s5 =	simm.s32 @!p2 $0x0  }
0x1d: {  	s5 =	simm.s32 @p1 $0x1;
	p0 =	seq.s32 s7, s2  }
0x1e: {  	s7 =	smul.u32 @!p0 $0xF7A, s2;
	p2 =	seq.s32 @!p0 s5, $0x0  }
0x1f: {  	s9 =	smul.u32 $0xF7A, s1;
	s8 =	simm.s32 @!p0 $0x1BF5;
	p2 =	por !p2, p0  }
0x20: {  	[sflag:s8] =	ssyncset.s32 @!p0 $0xFFFFF086;
	s6 =	sadd.s32 @!p0 s3, s7;
	s7 =	simm.s32 @!p0 $0x108  }
0x21: {  	s3 =	sadd.s32 s3, s9;
	s6 =	sadd.s32 @!p0 $0x88, s6;
	s7 =	simm.s32 @p2 $0x1082  }
0x22: {  	[simem:s7], [sflag:s8] =	dma.local @!p0 [hbm:s6], $0xF7A  }
0x23: {  	s9 =	sor.u32 $0xD0000000, s2;
	s6 =	simm.s32 $0x108;
	_ =	swait.ge @!p0 [sflag:s8], $0x0  }
0x24: {  	s3 =	sadd.s32 $0x88, s3;
	s6 =	simm.s32 @!p1 $0x1082;
	[sflag:s4] =	ssyncset.s32 $0xFFFFF086  }
0x25: {  	[simem:s6], [sflag:s4] =	dma.local [hbm:s3], $0xF7A  }
0x26: {  	[smem:$0x3F9B] =	sst s1;
	(tag) =	ssettag s2;
	_ =	strace s9  }
0x27: {  	s1 =	sld [smem:$0x3FAB]  }
0x28: {  	s2 =	sld [smem:$0x3FAC]  }
0x29: {  	s4 =	sld [smem:$0x3FAE]  }
0x2a: {  	p0 =	seq.s32 s5, $0x0;
	s5 =	sld [smem:$0x3FAF]  }
0x2b: {  	s6 =	sld [smem:$0x3FB0]  }
0x2c: {  	s7 =	sld [smem:$0x3FB1]  }
0x2d: {  	s3 =	simm.s32 $0x108;
	s8 =	sld [smem:$0x3FB2]  }
0x2e: {  	s3 =	simm.s32 @!p0 $0x1082;
	s9 =	sld [smem:$0x3FB3]  }
0x2f: {  	lr =	sadd.s32 s0, s3;
	s0 =	sld [smem:$0x3FAA]  }
0x30: {  	s3 =	sld [smem:$0x3FAD]  }
0x31: {  	[smem:$0x3FB6] =	sst s10  }
0x32: {  	s10 =	sld [smem:$0x3FB4];
	_ =	sdelay $0x3  }
0x33: {  	p0 =	seq.s32 s10, $0x1;
	s10 =	sld [smem:$0x3FB6];
	_ =	sdelay $0x3  }
0x34: {  	[smem:$0x3FB6] =	sst s10  }
0x35: {  	s10 =	sld [smem:$0x3FB5];
	_ =	sdelay $0x3  }
0x36: {  	p1 =	seq.s32 s10, $0x1;
	s10 =	sld [smem:$0x3FB6];
	_ =	sdelay $0x3  }
0x37: {  	[smem:$0x3FB6] =	sst s10  }
0x38: {  	s10 =	sld [smem:$0x3FB7]  }
0x39: {  	_ = 	snop;
	(pc) =	sbr.ind lr, $3  }
0x3a: {  	_ = 	snop  }
0x3b: {  	_ = 	snop  }
0x3c: {  	p2 =	seq.s32 s10, $0x1;
	s10 =	sld [smem:$0x3FB6]  }
0x3d: {  	_ =	shalt  }
0x3e: {  	_ =	shalt  }
0x3f: {  	_ =	shalt  }
0x40: {  	_ =	shalt  }
0x41: {  	_ =	shalt  }
0x42: {  	_ =	shalt  }
0x43: {  	_ =	shalt  }
0x44: {  	_ =	shalt  }
0x45: {  	_ =	shalt  }
0x46: {  	_ =	shalt  }
0x47: {  	_ =	shalt  }
0x48: {  	_ =	shalt  }
0x49: {  	_ =	shalt  }
0x4a: {  	_ =	shalt  }
0x4b: {  	_ =	shalt  }
0x4c: {  	_ =	shalt  }
0x4d: {  	_ =	shalt  }
0x4e: {  	_ =	shalt  }
0x4f: {  	_ =	shalt  }
0x50: {  	_ =	shalt  }
0x51: {  	_ =	shalt  }
0x52: {  	_ =	shalt  }
0x53: {  	_ =	shalt  }
0x54: {  	_ =	shalt  }
0x55: {  	_ =	shalt  }
0x56: {  	_ =	shalt  }
0x57: {  	_ =	shalt  }
0x58: {  	_ =	shalt  }
0x59: {  	_ =	shalt  }
0x5a: {  	_ =	shalt  }
0x5b: {  	_ =	shalt  }
0x5c: {  	_ =	shalt  }
0x5d: {  	_ =	shalt  }
0x5e: {  	_ =	shalt  }
0x5f: {  	_ =	shalt  }
0x60: {  	_ =	shalt  }
0x61: {  	_ =	shalt  }
0x62: {  	_ =	shalt  }
0x63: {  	_ =	shalt  }
0x64: {  	_ =	shalt  }
0x65: {  	_ =	shalt  }
0x66: {  	_ =	shalt  }
0x67: {  	_ =	shalt  }
0x68: {  	_ =	shalt  }
0x69: {  	_ =	shalt  }
0x6a: {  	_ =	shalt  }
0x6b: {  	_ =	shalt  }
0x6c: {  	_ =	shalt  }
0x6d: {  	_ =	shalt  }
0x6e: {  	_ =	shalt  }
0x6f: {  	_ =	shalt  }
0x70: {  	_ =	shalt  }
0x71: {  	_ =	shalt  }
0x72: {  	_ =	shalt  }
0x73: {  	_ =	shalt  }
0x74: {  	_ =	shalt  }
0x75: {  	_ =	shalt  }
0x76: {  	_ =	shalt  }
0x77: {  	_ =	shalt  }
0x78: {  	_ =	shalt  }
0x79: {  	_ =	shalt  }
0x7a: {  	_ =	shalt  }
0x7b: {  	_ =	shalt  }
0x7c: {  	_ =	shalt  }
0x7d: {  	_ =	shalt  }
0x7e: {  	_ =	shalt  }
0x7f: {  	_ =	shalt  }
0x80: {  	_ =	shalt  }
0x81: {  	_ =	shalt  }
0x82: {  	_ =	shalt  }
0x83: {  	_ =	shalt  }
0x84: {  	_ =	shalt  }
0x85: {  	_ =	shalt  }
0x86: {  	_ =	shalt  }
0x87: {  	_ =	shalt  }
.Lfunc_end0:
.L_simem_size_0:
called_computation.2_lowered:
.L_overlay_start_0:
0x88: {  	s2 =	sld [smem:$0x3FD9]  }
0x89: {  	s3 =	sld [smem:$0x3FFE];
	_ =	sdelay $0x1  }
0x8a: {  	s1 =	srdreg.scid  }
0x8b: {  	s0 =	sand.u32 $0x1, s1  }
0x8c: {  	s17 =	sshll.u32 s0, $0xA;
	s2 =	sadd.s32 s3, s2  }
0x8d: {  	s2 =	sadd.s32 s2, s17  }
0x8e: {  	[smem:$0x3FC2] =	sst s2  }
0x8f: {  	_ = 	snop  }
0x90: {  	s2 =	sld [smem:$0x3FD0];
	(tm) =	ssettm $0x1  }
0x91: {  	s18 =	sld [smem:$0x3FFB];
	_ =	sdelay $0x3  }
0x92: {  	_ =	strace s18  }
0x93: {  	s3 =	sld [smem:$0x3FFC];
	_ =	sdelay $0x3  }
0x94: {  	_ =	strace s3  }
0x95: {  	s3 =	sld [smem:$0x3FFD];
	_ =	sdelay $0x3  }
0x96: {  	_ =	strace s3  }
0x97: {  	_ =	strace $0x8FFFFFFF  }
0x98: {  	s19 =	sld [smem:$0x3FDB];
	_ =	sdelay $0x1  }
0x99: {  	s4 =	simm.s32 $_scs_section_size  }
0x9a: {  	s5 =	simm.s32 $_size__tile_overlayer_lowered;
	s6 =	simm.s32 $_tile_overlayer_lowered  }
0x9b: {  	s22 =	simm.s32 $0x1BFF;
	s21 =	sshll.u32 s6, $0x1;
	s3 =	sadd.s32 s4, s19  }
0x9c: {  	s7 =	simm.s32 $0x0;
	s20 =	sshll.u32 s5, $0x1;
	s5 =	sadd.s32 s21, s3  }
0x9d: {  	[timem:s7], [sflag:s22] =	dma.local [hbm:s5], s20  }
0x9e: {  	_ =	swait.ge [sflag:s22], s20  }
0x9f: {  	s4 =	ssub.s32 $0x0, s20;
	[sflag:s22] =	ssyncset.done $0x0  }
0xa0: {  	[sflag:s22] =	ssyncadd.s32 s4;
	_ =	sdelay $0x1  }
0xa1: {  	s23 =	simm.s32 $0x1B8B  }
0xa2: {  	_ =	swait.ge [sflag:s23], $0x1  }
0xa3: {  	[sflag:s23] =	ssyncset.done $0x0  }
0xa4: {  	s25 =	simm.s32 $0x1B8E;
	s24 =	sld [smem:$0x3FFE];
	[sflag:s23] =	ssyncadd.s32 $0xFFFFFFFF  }
0xa5: {  	s26 =	simm.s32 $execute0_lowered;
	[smem:$0x3FD2] =	sst s25  }
0xa6: {  	s5 =	sshll.u32 s26, $0x1;
	_ =	strace $0x8000004C;
	[dreg:$0x1] =	wrdreg $0xFFFFFFFF  }
0xa7: {  	s28 =	simm.s32 $_size_execute0_lowered;
	s3 =	sadd.s32 s3, s5;
	[dreg:$0x0] =	wrdreg $0x0  }
0xa8: {  	s5 =	sshll.u32 s28, $0x1;
	[dreg:$0x2] =	wrdreg s3  }
0xa9: {  	[dreg:$0x3] =	wrdreg s5  }
0xaa: {  	[dreg:$0x4] =	wrdreg $0xC0  }
0xab: {  	_ =	task [dreg:s7], $0x5FFFF  }
0xac: {  	[dreg:$0x1] =	wrdreg $0xFFFFFFFF  }
0xad: {  	[dreg:$0x0] =	wrdreg $0x60  }
0xae: {  	[dreg:$0x2] =	wrdreg s24  }
0xaf: {  	[dreg:$0x3] =	wrdreg s2  }
0xb0: {  	[dreg:$0x4] =	wrdreg $0x82000  }
0xb1: {  	[dreg:$0x5] =	wrdreg $0x9  }
0xb2: {  	_ =	task.clear_ibuf [dreg:s7], $0x6FFFF;
	_ =	strace $0x9000004C  }
0xb3: {  	s29 =	simm.s32 $0x9;
	_ =	strace $0x8000004E  }
0xb4: {  	_ =	swait.ge [sflag:s29], $0x1  }
0xb5: {  	[sflag:s29] =	ssyncadd.s32 $0xFFFFFFFF  }
0xb6: {  	_ =	strace $0x9000004E  }
0xb7: {  	_ =	sfence  }
0xb8: {  	s30 =	sld [smem:$0x0];
	_ =	sdelay $0x2  }
0xb9: {  	s31 =	sshll.u32 s1, $0xD;
	s1 =	sshrl.u32 s1, $0x2  }
0xba: {  	s3 =	sand.u32 $0x4000, s31;
	s1 =	sadd.s32 s1, s30  }
0xbb: {  	s0 =	sor.u32 s3, s0;
	s1 =	sshll.u32 s1, $0x11  }
0xbc: {  	s0 =	sor.u32 s1, s0  }
0xbd: {  	s0 =	sadd.s32 $0x8F2B, s0  }
0xbe: {  	[sflag:s0] =	ssyncadd.remote.s32 $0x1  }
0xbf: {  	_ =	sfence.sel $0xFFFF  }
0xc0: {  	[dreg:$0x0] =	wrdreg $0xFFFFFFFF;
	(pc) =	sbr.abs _section_cstart, $3  }
0xc1: {  	[dreg:$0x1] =	wrdreg $0xFFFFFFFF  }
0xc2: {  	_ =	task.clear_ibuf [dreg:s7], $0x2FFFF;
	_ =	strace $0x9FFFFFFF  }
0xc3: {  	(tm) =	ssettm $0x7FFFFFFF  }
tec
execute0_lowered:
.L_overlay_start_1:
0x0: {  	(tag) =	ssettag $0x1  }
0x1: {  	s7 =	rddreg [dreg:$0x0]  }
0x2: {  	s2 =	rddreg [dreg:$0x1]  }
0x3: {  	s3 =	rddreg [dreg:$0x2];
	s1 =	stileid.u32;
	s4 =	simm.s32 $0x0  }
0x4: {  	s6 =	srdreg.scid;
	s16 =	simm.s32 $0x1;
	s17 =	simm.s32 $0x80  }
0x5: {  	s18 =	simm.s32 $0x200;
	s19 =	simm.s32 $0x2;
	s20 =	simm.s32 $0x4200  }
0x6: {  	s21 =	simm.s32 $0x3;
	s22 =	simm.s32 $0x4;
	s23 =	simm.s32 $0x180  }
0x7: {  	s24 =	simm.s32 $0x5;
	s26 =	simm.s32 $0x6;
	s28 =	simm.s32 $0x0  }
0x8: {  	s5 =	smul.u32 $0x13C0, s1;
	[smem:$0x7FF] =	sst s4;
	s13 =	sand.u32 $0x1, s6  }
0x9: {  	s8 =	smul.u32 $0x4E400, s1;
	s6 =	sadd.s32 $0x8D400, s7;
	s31 =	sshll.u32 s1, $0x6  }
0xa: {  	_ =	strace $0x8000004D;
	s9 =	ssub.s32 $0x2, s13;
	p0 =	sne.s32 s13, $0x0  }
0xb: {  	s12 =	sadd.s32 s5, s7;
	s11 =	sshrl.u32 s8, $0x2;
	s8 =	smul.u32 $0x13880, s1  }
.Ltmp0:
0xc: {  	s5 =	sadd.s32 $0x3F000, s7;
	s10 =	sshrl.u32 s9, $0x1;
	(pc) =	sbr.rel .LBB2_1-.Ltmp0, $4  }
0xd: {  	s7 =	sadd.s32 $0x8FC00, s7;
	s14 =	ssub.s32 s9, s10;
	s15 =	sadd.s32 s11, s3  }
0xe: {  	s9 =	sor.u32 $0x1C07, s31;
	s12 =	sadd.s32 $0x4200, s12;
	s10 =	sadd.s32 $0x138800, s8  }
0xf: {  	s25 =	sadd.s32 s8, s3;
	s11 =	smax.u32 s14, $0x1;
	s13 =	sshrl.u32 s15, $0x3  }
0x10: {  	s14 =	simm.s32 $0x7;
	s15 =	simm.s32 $0x100;
	s25 =	sshrl.u32 s25, $0x3  }
.LBB2_7:
0x11: {  	s0 =	sadd.s32 s29, s12;
	[sflag:s26] =	ssyncadd.s32 $0xFFFFC000  }
0x12: {  	[tilespmem:s4], [sflag:$0x1] =	stream.linear.gather [hbm4b:s0+s4], $0x100, $0x38;
	[tilespmem:$0x1BB00] =	vst v63  }
0x13: {  	s0 =	sadd.s32 $0x20, s0  }
0x14: {  	[tilespmem:s15], [sflag:$0x2] =	stream.linear.gather [hbm4b:s0+s4], $0x100, $0x38;
	[tilespmem:$0x1BB00] =	vst v63  }
0x15: {  	_ =	swait.ge [sflag:s16], $0x100  }
0x16: {  	[sflag:s16] =	ssyncset.done $0x0  }
0x17: {  	[sflag:s16] =	ssyncadd.s32 $0xFFFFFF00  }
0x18: {  	[tilespmem:s18], [sflag:$0x3] =	stream.indirect.gather [hbm4b:s5+s17], $0x80, s4, s17, $0xb8;
	[tilespmem:$0x1BB00] =	vst v63  }
0x19: {  	_ =	swait.ge [sflag:s19], $0x100  }
0x1a: {  	[sflag:s19] =	ssyncset.done $0x0  }
0x1b: {  	[sflag:s19] =	ssyncadd.s32 $0xFFFFFF00  }
0x1c: {  	[tilespmem:s20], [sflag:$0x4] =	stream.indirect.gather [hbm4b:s5+s17], $0x80, s15, s17, $0xb8;
	[tilespmem:$0x1BB00] =	vst v63  }
0x1d: {  	_ =	swait.ge [sflag:s21], $0x4000  }
0x1e: {  	[sflag:s21] =	ssyncset.done $0x0  }
0x1f: {  	[sflag:s21] =	ssyncadd.s32 $0xFFFFC000  }
0x20: {  	[spmem:s3] =	stream.indirect.scatter.add.f32 [tilespmem:s18], [sflag:$0x5], $0x80, s17, s17, $0xb8;
	[tilespmem:$0x1BB00] =	vst v63  }
0x21: {  	_ =	swait.ge [sflag:s22], $0x4000  }
0x22: {  	[sflag:s22] =	ssyncset.done $0x0  }
0x23: {  	[sflag:s22] =	ssyncadd.s32 $0xFFFFC000  }
0x24: {  	[spmem:s3] =	stream.indirect.scatter.add.f32 [tilespmem:s20], [sflag:$0x6], $0x80, s23, s17, $0xb8;
	[tilespmem:$0x1BB00] =	vst v63  }
0x25: {  	_ =	swait.ge [sflag:s24], $0x4000  }
0x26: {  	[sflag:s24] =	ssyncset.done $0x0  }
0x27: {  	[sflag:s24] =	ssyncadd.s32 $0xFFFFC000  }
0x28: {  	_ =	swait.ge [sflag:s26], $0x4000  }
0x29: {  	[sflag:s26] =	ssyncset.done $0x0  }
0x2a: {  	s29 =	smov.u32 s10;
	[sflag:s26] =	ssyncadd.s32 $0xFFFFC000  }
.LBB2_8:
0x2b: {  	s28 =	sadd.s32 $0x1, s28  }
0x2c: {  	s0 =	sshrl.u32 s29, $0x3;
	p1 =	sne.s32 s28, s11  }
.Ltmp1:
0x2d: {  	[bflag:$0x0] =	sbarrier.arrive $0xFFFF;
	s0 =	sadd.s32 s7, s0;
	(pc) =	sbr.rel @!p1 .LBB2_9-.Ltmp1, $4  }
0x2e: {  	[hbm:s0], [sflag:s9] =	dma.local [spmem:s25], $0x2710  }
0x2f: {  	_ =	swait.ge [sflag:s14], $0x2710  }
0x30: {  	[sflag:s14] =	ssyncset.done $0x0  }
0x31: {  	[sflag:s14] =	ssyncadd.s32 $0xFFFFD8F0  }
.LBB2_1:
0x32: {  	[spmem:s13], [sflag:s9] =	dma.local [hbm:s6], $0x2720  }
.Ltmp2:
0x33: {  	_ =	swait.ge [sflag:s14], $0x2720;
	(pc) =	sbr.rel @p0 .LBB2_5-.Ltmp2, $3  }
0x34: {  	[sflag:s14] =	ssyncset.done $0x0  }
0x35: {  	[sflag:s14] =	ssyncadd.s32 $0xFFFFD8E0  }
0x36: {  	[bflag:$0x0] =	sbarrier.arrive $0xFFFF;
	_ =	sdelay $0x1  }
0x37: {  	s29 =	sadd.s32 $0x0, s12  }
0x38: {  	[tilespmem:s4], [sflag:$0x1] =	stream.linear.gather [hbm4b:s29+s4], $0x100, $0x38;
	[tilespmem:$0x1BB00] =	vst v63  }
0x39: {  	s29 =	sadd.s32 $0x20, s29  }
0x3a: {  	[tilespmem:s15], [sflag:$0x2] =	stream.linear.gather [hbm4b:s29+s4], $0x100, $0x38;
	[tilespmem:$0x1BB00] =	vst v63  }
0x3b: {  	_ =	swait.ge [sflag:s16], $0x100  }
0x3c: {  	[sflag:s16] =	ssyncset.done $0x0  }
0x3d: {  	[sflag:s16] =	ssyncadd.s32 $0xFFFFFF00  }
0x3e: {  	[tilespmem:s18], [sflag:$0x3] =	stream.indirect.gather [hbm4b:s2+s17], $0x80, s4, s17, $0xb8;
	[tilespmem:$0x1BB00] =	vst v63  }
0x3f: {  	_ =	swait.ge [sflag:s19], $0x100  }
0x40: {  	[sflag:s19] =	ssyncset.done $0x0  }
0x41: {  	[sflag:s19] =	ssyncadd.s32 $0xFFFFFF00  }
0x42: {  	[tilespmem:s20], [sflag:$0x4] =	stream.indirect.gather [hbm4b:s2+s17], $0x80, s15, s17, $0xb8;
	[tilespmem:$0x1BB00] =	vst v63  }
0x43: {  	_ =	swait.ge [sflag:s21], $0x4000  }
0x44: {  	[sflag:s21] =	ssyncset.done $0x0  }
0x45: {  	[sflag:s21] =	ssyncadd.s32 $0xFFFFC000  }
0x46: {  	[spmem:s3] =	stream.indirect.scatter.add.f32 [tilespmem:s18], [sflag:$0x5], $0x80, s17, s17, $0xb8;
	[tilespmem:$0x1BB00] =	vst v63  }
0x47: {  	_ =	swait.ge [sflag:s22], $0x4000  }
0x48: {  	[sflag:s22] =	ssyncset.done $0x0  }
0x49: {  	[sflag:s22] =	ssyncadd.s32 $0xFFFFC000  }
0x4a: {  	[spmem:s3] =	stream.indirect.scatter.add.f32 [tilespmem:s20], [sflag:$0x6], $0x80, s23, s17, $0xb8;
	[tilespmem:$0x1BB00] =	vst v63  }
0x4b: {  	_ =	swait.ge [sflag:s24], $0x4000  }
0x4c: {  	[sflag:s24] =	ssyncset.done $0x0  }
0x4d: {  	[sflag:s24] =	ssyncadd.s32 $0xFFFFC000  }
0x4e: {  	_ =	swait.ge [sflag:s26], $0x4000  }
0x4f: {  	s30 =	simm.s32 $0x80;
	s29 =	simm.s32 $0x40;
	[sflag:s26] =	ssyncset.done $0x0  }
.LBB2_3:
0x50: {  	s31 =	sadd.s32 s29, s12  }
0x51: {  	[sflag:s26] =	ssyncadd.s32 $0xFFFFC000;
	s29 =	smov.u32 s30;
	s0 =	sadd.s32 $0x40, s30  }
0x52: {  	[tilespmem:s4], [sflag:$0x1] =	stream.linear.gather [hbm4b:s31+s4], $0x100, $0x38;
	[tilespmem:$0x1BB00] =	vst v63  }
0x53: {  	p1 =	seq.s32 s30, $0x1380;
	s30 =	sadd.s32 $0x20, s31  }
0x54: {  	[tilespmem:s15], [sflag:$0x2] =	stream.linear.gather [hbm4b:s30+s4], $0x100, $0x38;
	[tilespmem:$0x1BB00] =	vst v63  }
0x55: {  	_ =	swait.ge [sflag:s16], $0x100  }
0x56: {  	[sflag:s16] =	ssyncset.done $0x0  }
0x57: {  	[sflag:s16] =	ssyncadd.s32 $0xFFFFFF00  }
0x58: {  	[tilespmem:s18], [sflag:$0x3] =	stream.indirect.gather [hbm4b:s2+s17], $0x80, s4, s17, $0xb8;
	[tilespmem:$0x1BB00] =	vst v63  }
0x59: {  	_ =	swait.ge [sflag:s19], $0x100  }
0x5a: {  	[sflag:s19] =	ssyncset.done $0x0  }
0x5b: {  	[sflag:s19] =	ssyncadd.s32 $0xFFFFFF00  }
0x5c: {  	[tilespmem:s20], [sflag:$0x4] =	stream.indirect.gather [hbm4b:s2+s17], $0x80, s15, s17, $0xb8;
	[tilespmem:$0x1BB00] =	vst v63  }
0x5d: {  	_ =	swait.ge [sflag:s21], $0x4000  }
0x5e: {  	[sflag:s21] =	ssyncset.done $0x0  }
0x5f: {  	[sflag:s21] =	ssyncadd.s32 $0xFFFFC000  }
0x60: {  	[spmem:s3] =	stream.indirect.scatter.add.f32 [tilespmem:s18], [sflag:$0x5], $0x80, s17, s17, $0xb8;
	[tilespmem:$0x1BB00] =	vst v63  }
0x61: {  	_ =	swait.ge [sflag:s22], $0x4000  }
0x62: {  	[sflag:s22] =	ssyncset.done $0x0  }
0x63: {  	[sflag:s22] =	ssyncadd.s32 $0xFFFFC000  }
0x64: {  	[spmem:s3] =	stream.indirect.scatter.add.f32 [tilespmem:s20], [sflag:$0x6], $0x80, s23, s17, $0xb8;
	[tilespmem:$0x1BB00] =	vst v63  }
.Ltmp3:
0x65: {  	_ =	swait.ge [sflag:s24], $0x4000;
	(pc) =	sbr.rel @!p1 .LBB2_3-.Ltmp3, $4  }
0x66: {  	[sflag:s24] =	ssyncset.done $0x0  }
0x67: {  	[sflag:s24] =	ssyncadd.s32 $0xFFFFC000  }
0x68: {  	_ =	swait.ge [sflag:s26], $0x4000  }
0x69: {  	s30 =	smov.u32 s0;
	[sflag:s26] =	ssyncset.done $0x0  }
0x6a: {  	s0 =	sadd.s32 s29, s12;
	[sflag:s26] =	ssyncadd.s32 $0xFFFFC000  }
0x6b: {  	[tilespmem:s4], [sflag:$0x1] =	stream.linear.gather [hbm4b:s0+s4], $0x100, $0x38;
	[tilespmem:$0x1BB00] =	vst v63  }
0x6c: {  	s0 =	sadd.s32 $0x20, s0  }
0x6d: {  	[tilespmem:s15], [sflag:$0x2] =	stream.linear.gather [hbm4b:s0+s4], $0x100, $0x38;
	[tilespmem:$0x1BB00] =	vst v63  }
0x6e: {  	_ =	swait.ge [sflag:s16], $0x100  }
0x6f: {  	[sflag:s16] =	ssyncset.done $0x0  }
0x70: {  	[sflag:s16] =	ssyncadd.s32 $0xFFFFFF00  }
0x71: {  	[tilespmem:s18], [sflag:$0x3] =	stream.indirect.gather [hbm4b:s2+s17], $0x80, s4, s17, $0xb8;
	[tilespmem:$0x1BB00] =	vst v63  }
0x72: {  	_ =	swait.ge [sflag:s19], $0x100  }
0x73: {  	[sflag:s19] =	ssyncset.done $0x0  }
0x74: {  	[sflag:s19] =	ssyncadd.s32 $0xFFFFFF00  }
0x75: {  	[tilespmem:s20], [sflag:$0x4] =	stream.indirect.gather [hbm4b:s2+s17], $0x80, s15, s17, $0xb8;
	[tilespmem:$0x1BB00] =	vst v63  }
0x76: {  	_ =	swait.ge [sflag:s21], $0x4000  }
0x77: {  	[sflag:s21] =	ssyncset.done $0x0  }
0x78: {  	[sflag:s21] =	ssyncadd.s32 $0xFFFFC000  }
0x79: {  	[spmem:s3] =	stream.indirect.scatter.add.f32 [tilespmem:s18], [sflag:$0x5], $0x80, s17, s17, $0xb8;
	[tilespmem:$0x1BB00] =	vst v63  }
0x7a: {  	_ =	swait.ge [sflag:s22], $0x4000  }
0x7b: {  	[sflag:s22] =	ssyncset.done $0x0  }
0x7c: {  	[sflag:s22] =	ssyncadd.s32 $0xFFFFC000  }
0x7d: {  	[spmem:s3] =	stream.indirect.scatter.add.f32 [tilespmem:s20], [sflag:$0x6], $0x80, s23, s17, $0xb8;
	[tilespmem:$0x1BB00] =	vst v63  }
0x7e: {  	_ =	swait.ge [sflag:s24], $0x4000  }
.Ltmp4:
0x7f: {  	[sflag:s24] =	ssyncset.done $0x0;
	(pc) =	sbr.rel .LBB2_8-.Ltmp4, $4  }
0x80: {  	[sflag:s24] =	ssyncadd.s32 $0xFFFFC000  }
0x81: {  	_ =	swait.ge [sflag:s26], $0x4000  }
0x82: {  	[sflag:s26] =	ssyncset.done $0x0  }
0x83: {  	s29 =	smov.u32 s8;
	[sflag:s26] =	ssyncadd.s32 $0xFFFFC000  }
.LBB2_5:
0x84: {  	s0 =	sadd.s32 $0x0, s12  }
0x85: {  	[tilespmem:s4], [sflag:$0x1] =	stream.linear.gather [hbm4b:s0+s4], $0x100, $0x38;
	[tilespmem:$0x1BB00] =	vst v63  }
0x86: {  	s0 =	sadd.s32 $0x20, s0  }
0x87: {  	[tilespmem:s15], [sflag:$0x2] =	stream.linear.gather [hbm4b:s0+s4], $0x100, $0x38;
	[tilespmem:$0x1BB00] =	vst v63  }
0x88: {  	_ =	swait.ge [sflag:s16], $0x100  }
0x89: {  	[sflag:s16] =	ssyncset.done $0x0  }
0x8a: {  	[sflag:s16] =	ssyncadd.s32 $0xFFFFFF00  }
0x8b: {  	[tilespmem:s18], [sflag:$0x3] =	stream.indirect.gather [hbm4b:s5+s17], $0x80, s4, s17, $0xb8;
	[tilespmem:$0x1BB00] =	vst v63  }
0x8c: {  	_ =	swait.ge [sflag:s19], $0x100  }
0x8d: {  	[sflag:s19] =	ssyncset.done $0x0  }
0x8e: {  	[sflag:s19] =	ssyncadd.s32 $0xFFFFFF00  }
0x8f: {  	[tilespmem:s20], [sflag:$0x4] =	stream.indirect.gather [hbm4b:s5+s17], $0x80, s15, s17, $0xb8;
	[tilespmem:$0x1BB00] =	vst v63  }
0x90: {  	_ =	swait.ge [sflag:s21], $0x4000  }
0x91: {  	[sflag:s21] =	ssyncset.done $0x0  }
0x92: {  	[sflag:s21] =	ssyncadd.s32 $0xFFFFC000  }
0x93: {  	[spmem:s3] =	stream.indirect.scatter.add.f32 [tilespmem:s18], [sflag:$0x5], $0x80, s17, s17, $0xb8;
	[tilespmem:$0x1BB00] =	vst v63  }
0x94: {  	_ =	swait.ge [sflag:s22], $0x4000  }
0x95: {  	[sflag:s22] =	ssyncset.done $0x0  }
0x96: {  	[sflag:s22] =	ssyncadd.s32 $0xFFFFC000  }
0x97: {  	[spmem:s3] =	stream.indirect.scatter.add.f32 [tilespmem:s20], [sflag:$0x6], $0x80, s23, s17, $0xb8;
	[tilespmem:$0x1BB00] =	vst v63  }
0x98: {  	_ =	swait.ge [sflag:s24], $0x4000  }
0x99: {  	[sflag:s24] =	ssyncset.done $0x0  }
0x9a: {  	[sflag:s24] =	ssyncadd.s32 $0xFFFFC000  }
0x9b: {  	_ =	swait.ge [sflag:s26], $0x4000  }
0x9c: {  	s29 =	simm.s32 $0x40;
	s30 =	simm.s32 $0x80;
	[sflag:s26] =	ssyncset.done $0x0  }
.LBB2_6:
0x9d: {  	s0 =	sadd.s32 s29, s12  }
0x9e: {  	[sflag:s26] =	ssyncadd.s32 $0xFFFFC000;
	s29 =	smov.u32 s30;
	s31 =	sadd.s32 $0x40, s30  }
0x9f: {  	[tilespmem:s4], [sflag:$0x1] =	stream.linear.gather [hbm4b:s0+s4], $0x100, $0x38;
	[tilespmem:$0x1BB00] =	vst v63  }
0xa0: {  	p1 =	sne.s32 s30, $0x1380;
	s0 =	sadd.s32 $0x20, s0  }
0xa1: {  	[tilespmem:s15], [sflag:$0x2] =	stream.linear.gather [hbm4b:s0+s4], $0x100, $0x38;
	[tilespmem:$0x1BB00] =	vst v63  }
0xa2: {  	_ =	swait.ge [sflag:s16], $0x100  }
0xa3: {  	[sflag:s16] =	ssyncset.done $0x0  }
0xa4: {  	[sflag:s16] =	ssyncadd.s32 $0xFFFFFF00  }
0xa5: {  	[tilespmem:s18], [sflag:$0x3] =	stream.indirect.gather [hbm4b:s5+s17], $0x80, s4, s17, $0xb8;
	[tilespmem:$0x1BB00] =	vst v63  }
0xa6: {  	_ =	swait.ge [sflag:s19], $0x100  }
0xa7: {  	[sflag:s19] =	ssyncset.done $0x0  }
0xa8: {  	[sflag:s19] =	ssyncadd.s32 $0xFFFFFF00  }
0xa9: {  	[tilespmem:s20], [sflag:$0x4] =	stream.indirect.gather [hbm4b:s5+s17], $0x80, s15, s17, $0xb8;
	[tilespmem:$0x1BB00] =	vst v63  }
0xaa: {  	_ =	swait.ge [sflag:s21], $0x4000  }
0xab: {  	[sflag:s21] =	ssyncset.done $0x0  }
0xac: {  	[sflag:s21] =	ssyncadd.s32 $0xFFFFC000  }
0xad: {  	[spmem:s3] =	stream.indirect.scatter.add.f32 [tilespmem:s18], [sflag:$0x5], $0x80, s17, s17, $0xb8;
	[tilespmem:$0x1BB00] =	vst v63  }
0xae: {  	_ =	swait.ge [sflag:s22], $0x4000  }
0xaf: {  	[sflag:s22] =	ssyncset.done $0x0  }
0xb0: {  	[sflag:s22] =	ssyncadd.s32 $0xFFFFC000  }
0xb1: {  	[spmem:s3] =	stream.indirect.scatter.add.f32 [tilespmem:s20], [sflag:$0x6], $0x80, s23, s17, $0xb8;
	[tilespmem:$0x1BB00] =	vst v63  }
.Ltmp5:
0xb2: {  	_ =	swait.ge [sflag:s24], $0x4000;
	(pc) =	sbr.rel @p1 .LBB2_6-.Ltmp5, $4  }
0xb3: {  	[sflag:s24] =	ssyncset.done $0x0  }
0xb4: {  	[sflag:s24] =	ssyncadd.s32 $0xFFFFC000  }
0xb5: {  	_ =	swait.ge [sflag:s26], $0x4000  }
0xb6: {  	s30 =	smov.u32 s31;
	[sflag:s26] =	ssyncset.done $0x0  }
.Ltmp6:
0xb7: {  	_ = 	snop;
	(pc) =	sbr.rel .LBB2_7-.Ltmp6, $1  }
0xb8: {  	_ =	sdelay $0x3  }
.LBB2_9:
0xb9: {  	_ =	sfence.sel $0x180000  }
0xba: {  	[bflag:$0x0] =	sbarrier.arrive $0xFFFF  }
0xbb: {  	_ =	strace $0x9000004D  }
0xbc: {  	[bflag:$0x2] =	sbarrier.arrive $0xFFFF  }
0xbd: {  	p0 =	sne.s32 s1, $0x0;
	s0 =	rddreg [dreg:$0x3]  }
0xbe: {  	s0 =	sadd.s32 @!p0 $0x100000, s0  }
0xbf: {  	[sflag:s0] =	ssyncadd.tile.s32 @!p0 $0x1;
	_ =	shalt  }
.Lfunc_end2:
_tile_overlayer_lowered:
.L_overlay_start_2:
0xc0: {  	(tag) =	ssettag $0x2  }
0xc1: {  	s0 =	rddreg [dreg:$0x0];
	s2 =	stileid.u32  }
0xc2: {  	s1 =	rddreg [dreg:$0x1];
	p0 =	sne.s32 s2, $0x0  }
0xc3: {  	s3 =	rddreg [dreg:$0x2];
	[bflag:$0x3] =	sbarrier.arrive $0xFFFF;
	s2 =	simm.s32 @!p0 $0x1C07  }
0xc4: {  	[timem:s3], [sflag:s2] =	dma.local @!p0 [hbm:s0], s1  }
0xc5: {  	s0 =	simm.s32 @!p0 $0x7  }
0xc6: {  	_ =	swait.ge @!p0 [sflag:s0], s1  }
0xc7: {  	s1 =	ssub.s32 @!p0 $0x0, s1;
	[sflag:s0] =	ssyncset.done @!p0 $0x0  }
0xc8: {  	[sflag:s0] =	ssyncadd.s32 @!p0 s1  }
0xc9: {  	[bflag:$0x3] =	sbarrier.arrive $0xFFFF  }
0xca: {  	_ =	shalt  }

// kernel: kernel.8.cloned.1.call-start
scs
__scs_entry_jumppad:
0x0: {  	(pc) =	sbr.rel $0x88, $3  }
0x1: {  	(tag) =	ssettag $0x0;
	lr =	simm.s32 $0x1  }
0x2: {  	[smem:$0x3F9B] =	sst lr;
	_ =	strace $0xD0000000  }
0x3: {  	_ = 	snop  }
0x4: {  	_ = 	snop  }
0x5: {  	_ = 	snop  }
0x6: {  	_ = 	snop  }
0x7: {  	_ = 	snop  }
__scs_overlays_trampoline_lowered:
0x8: {  	[smem:$0x3FAA] =	sst s0  }
0x9: {  	[smem:$0x3FAB] =	sst s1  }
0xa: {  	[smem:$0x3FAC] =	sst s2  }
0xb: {  	[smem:$0x3FAD] =	sst s3  }
0xc: {  	[smem:$0x3FAE] =	sst s4  }
0xd: {  	[smem:$0x3FAF] =	sst s5  }
0xe: {  	[smem:$0x3FB0] =	sst s6  }
0xf: {  	[smem:$0x3FB1] =	sst s7  }
0x10: {  	[smem:$0x3FB2] =	sst s8  }
0x11: {  	[smem:$0x3FB3] =	sst s9;
	s0 =	simm.s32 @!p0 $0x0  }
0x12: {  	s1 =	sld [smem:$0x3F99];
	s0 =	simm.s32 @p0 $0x1  }
0x13: {  	[smem:$0x3FB4] =	sst s0;
	s0 =	simm.s32 @!p1 $0x0  }
0x14: {  	s2 =	sld [smem:$0x3F98];
	s0 =	simm.s32 @p1 $0x1  }
0x15: {  	[smem:$0x3FB5] =	sst s0;
	s0 =	simm.s32 @!p2 $0x0  }
0x16: {  	s3 =	sld [smem:$0x3FDB];
	s0 =	simm.s32 @p2 $0x1  }
0x17: {  	s4 =	simm.s32 $0x1BF5;
	[smem:$0x3FB7] =	sst s0  }
0x18: {  	s0 =	sld [smem:$0x3F9A];
	_ =	swait.ge [sflag:s4], $0x0  }
0x19: {  	s7 =	sld [smem:$0x3F9B]  }
0x1a: {  	s8 =	sadd.s32 $0xFFFFE003, lr  }
0x1b: {  	s9 =	sadd.s32 $0xFFFFFEF7, lr;
	s5 =	simm.s32 $0xFFFFFFFF;
	p2 =	slt.u32 s8, $0xFFFFF086  }
0x1c: {  	p1 =	slt.u32 s9, $0xF7A;
	s5 =	simm.s32 @!p2 $0x0  }
0x1d: {  	s5 =	simm.s32 @p1 $0x1;
	p0 =	seq.s32 s7, s2  }
0x1e: {  	s7 =	smul.u32 @!p0 $0xF7A, s2;
	p2 =	seq.s32 @!p0 s5, $0x0  }
0x1f: {  	s9 =	smul.u32 $0xF7A, s1;
	s8 =	simm.s32 @!p0 $0x1BF5;
	p2 =	por !p2, p0  }
0x20: {  	[sflag:s8] =	ssyncset.s32 @!p0 $0xFFFFF086;
	s6 =	sadd.s32 @!p0 s3, s7;
	s7 =	simm.s32 @!p0 $0x108  }
0x21: {  	s3 =	sadd.s32 s3, s9;
	s6 =	sadd.s32 @!p0 $0x88, s6;
	s7 =	simm.s32 @p2 $0x1082  }
0x22: {  	[simem:s7], [sflag:s8] =	dma.local @!p0 [hbm:s6], $0xF7A  }
0x23: {  	s9 =	sor.u32 $0xD0000000, s2;
	s6 =	simm.s32 $0x108;
	_ =	swait.ge @!p0 [sflag:s8], $0x0  }
0x24: {  	s3 =	sadd.s32 $0x88, s3;
	s6 =	simm.s32 @!p1 $0x1082;
	[sflag:s4] =	ssyncset.s32 $0xFFFFF086  }
0x25: {  	[simem:s6], [sflag:s4] =	dma.local [hbm:s3], $0xF7A  }
0x26: {  	[smem:$0x3F9B] =	sst s1;
	(tag) =	ssettag s2;
	_ =	strace s9  }
0x27: {  	s1 =	sld [smem:$0x3FAB]  }
0x28: {  	s2 =	sld [smem:$0x3FAC]  }
0x29: {  	s4 =	sld [smem:$0x3FAE]  }
0x2a: {  	p0 =	seq.s32 s5, $0x0;
	s5 =	sld [smem:$0x3FAF]  }
0x2b: {  	s6 =	sld [smem:$0x3FB0]  }
0x2c: {  	s7 =	sld [smem:$0x3FB1]  }
0x2d: {  	s3 =	simm.s32 $0x108;
	s8 =	sld [smem:$0x3FB2]  }
0x2e: {  	s3 =	simm.s32 @!p0 $0x1082;
	s9 =	sld [smem:$0x3FB3]  }
0x2f: {  	lr =	sadd.s32 s0, s3;
	s0 =	sld [smem:$0x3FAA]  }
0x30: {  	s3 =	sld [smem:$0x3FAD]  }
0x31: {  	[smem:$0x3FB6] =	sst s10  }
0x32: {  	s10 =	sld [smem:$0x3FB4];
	_ =	sdelay $0x3  }
0x33: {  	p0 =	seq.s32 s10, $0x1;
	s10 =	sld [smem:$0x3FB6];
	_ =	sdelay $0x3  }
0x34: {  	[smem:$0x3FB6] =	sst s10  }
0x35: {  	s10 =	sld [smem:$0x3FB5];
	_ =	sdelay $0x3  }
0x36: {  	p1 =	seq.s32 s10, $0x1;
	s10 =	sld [smem:$0x3FB6];
	_ =	sdelay $0x3  }
0x37: {  	[smem:$0x3FB6] =	sst s10  }
0x38: {  	s10 =	sld [smem:$0x3FB7]  }
0x39: {  	_ = 	snop;
	(pc) =	sbr.ind lr, $3  }
0x3a: {  	_ = 	snop  }
0x3b: {  	_ = 	snop  }
0x3c: {  	p2 =	seq.s32 s10, $0x1;
	s10 =	sld [smem:$0x3FB6]  }
0x3d: {  	_ =	shalt  }
0x3e: {  	_ =	shalt  }
0x3f: {  	_ =	shalt  }
0x40: {  	_ =	shalt  }
0x41: {  	_ =	shalt  }
0x42: {  	_ =	shalt  }
0x43: {  	_ =	shalt  }
0x44: {  	_ =	shalt  }
0x45: {  	_ =	shalt  }
0x46: {  	_ =	shalt  }
0x47: {  	_ =	shalt  }
0x48: {  	_ =	shalt  }
0x49: {  	_ =	shalt  }
0x4a: {  	_ =	shalt  }
0x4b: {  	_ =	shalt  }
0x4c: {  	_ =	shalt  }
0x4d: {  	_ =	shalt  }
0x4e: {  	_ =	shalt  }
0x4f: {  	_ =	shalt  }
0x50: {  	_ =	shalt  }
0x51: {  	_ =	shalt  }
0x52: {  	_ =	shalt  }
0x53: {  	_ =	shalt  }
0x54: {  	_ =	shalt  }
0x55: {  	_ =	shalt  }
0x56: {  	_ =	shalt  }
0x57: {  	_ =	shalt  }
0x58: {  	_ =	shalt  }
0x59: {  	_ =	shalt  }
0x5a: {  	_ =	shalt  }
0x5b: {  	_ =	shalt  }
0x5c: {  	_ =	shalt  }
0x5d: {  	_ =	shalt  }
0x5e: {  	_ =	shalt  }
0x5f: {  	_ =	shalt  }
0x60: {  	_ =	shalt  }
0x61: {  	_ =	shalt  }
0x62: {  	_ =	shalt  }
0x63: {  	_ =	shalt  }
0x64: {  	_ =	shalt  }
0x65: {  	_ =	shalt  }
0x66: {  	_ =	shalt  }
0x67: {  	_ =	shalt  }
0x68: {  	_ =	shalt  }
0x69: {  	_ =	shalt  }
0x6a: {  	_ =	shalt  }
0x6b: {  	_ =	shalt  }
0x6c: {  	_ =	shalt  }
0x6d: {  	_ =	shalt  }
0x6e: {  	_ =	shalt  }
0x6f: {  	_ =	shalt  }
0x70: {  	_ =	shalt  }
0x71: {  	_ =	shalt  }
0x72: {  	_ =	shalt  }
0x73: {  	_ =	shalt  }
0x74: {  	_ =	shalt  }
0x75: {  	_ =	shalt  }
0x76: {  	_ =	shalt  }
0x77: {  	_ =	shalt  }
0x78: {  	_ =	shalt  }
0x79: {  	_ =	shalt  }
0x7a: {  	_ =	shalt  }
0x7b: {  	_ =	shalt  }
0x7c: {  	_ =	shalt  }
0x7d: {  	_ =	shalt  }
0x7e: {  	_ =	shalt  }
0x7f: {  	_ =	shalt  }
0x80: {  	_ =	shalt  }
0x81: {  	_ =	shalt  }
0x82: {  	_ =	shalt  }
0x83: {  	_ =	shalt  }
0x84: {  	_ =	shalt  }
0x85: {  	_ =	shalt  }
0x86: {  	_ =	shalt  }
0x87: {  	_ =	shalt  }
.Lfunc_end0:
.L_simem_size_0:
called_computation_lowered:
.L_overlay_start_0:
0x88: {  	s2 =	sld [smem:$0x3FD9]  }
0x89: {  	s3 =	sld [smem:$0x3FFE];
	_ =	sdelay $0x1  }
0x8a: {  	s1 =	srdreg.scid  }
0x8b: {  	s0 =	sand.u32 $0x1, s1  }
0x8c: {  	s17 =	sshll.u32 s0, $0xA;
	s2 =	sadd.s32 s3, s2  }
0x8d: {  	s2 =	sadd.s32 s2, s17  }
0x8e: {  	[smem:$0x3FC2] =	sst s2  }
0x8f: {  	_ = 	snop  }
0x90: {  	s2 =	sld [smem:$0x3FD0];
	(tm) =	ssettm $0x1  }
0x91: {  	s18 =	sld [smem:$0x3FFB];
	_ =	sdelay $0x3  }
0x92: {  	_ =	strace s18  }
0x93: {  	s3 =	sld [smem:$0x3FFC];
	_ =	sdelay $0x3  }
0x94: {  	_ =	strace s3  }
0x95: {  	s3 =	sld [smem:$0x3FFD];
	_ =	sdelay $0x3  }
0x96: {  	_ =	strace s3  }
0x97: {  	_ =	strace $0x8FFFFFFF  }
0x98: {  	s19 =	sld [smem:$0x3FDB];
	_ =	sdelay $0x1  }
0x99: {  	s4 =	simm.s32 $_scs_section_size  }
0x9a: {  	s5 =	simm.s32 $_size__tile_overlayer_lowered;
	s6 =	simm.s32 $_tile_overlayer_lowered  }
0x9b: {  	s22 =	simm.s32 $0x1BFF;
	s21 =	sshll.u32 s6, $0x1;
	s3 =	sadd.s32 s4, s19  }
0x9c: {  	s7 =	simm.s32 $0x0;
	s20 =	sshll.u32 s5, $0x1;
	s5 =	sadd.s32 s21, s3  }
0x9d: {  	[timem:s7], [sflag:s22] =	dma.local [hbm:s5], s20  }
0x9e: {  	_ =	swait.ge [sflag:s22], s20  }
0x9f: {  	s4 =	ssub.s32 $0x0, s20;
	[sflag:s22] =	ssyncset.done $0x0  }
0xa0: {  	[sflag:s22] =	ssyncadd.s32 s4;
	_ =	sdelay $0x1  }
0xa1: {  	s23 =	simm.s32 $0x1B8B  }
0xa2: {  	_ =	swait.ge [sflag:s23], $0x1  }
0xa3: {  	[sflag:s23] =	ssyncset.done $0x0  }
0xa4: {  	s25 =	simm.s32 $0x1B8E;
	s24 =	sld [smem:$0x3FFE];
	[sflag:s23] =	ssyncadd.s32 $0xFFFFFFFF  }
0xa5: {  	s26 =	simm.s32 $execute0_lowered;
	[smem:$0x3FD2] =	sst s25  }
0xa6: {  	s5 =	sshll.u32 s26, $0x1;
	_ =	strace $0x80000046;
	[dreg:$0x1] =	wrdreg $0xFFFFFFFF  }
0xa7: {  	s28 =	simm.s32 $_size_execute0_lowered;
	s3 =	sadd.s32 s3, s5;
	[dreg:$0x0] =	wrdreg $0x0  }
0xa8: {  	s5 =	sshll.u32 s28, $0x1;
	[dreg:$0x2] =	wrdreg s3  }
0xa9: {  	[dreg:$0x3] =	wrdreg s5  }
0xaa: {  	[dreg:$0x4] =	wrdreg $0xC0  }
0xab: {  	_ =	task [dreg:s7], $0x5FFFF  }
0xac: {  	[dreg:$0x1] =	wrdreg $0xFFFFFFFF  }
0xad: {  	[dreg:$0x0] =	wrdreg $0x60  }
0xae: {  	[dreg:$0x2] =	wrdreg s24  }
0xaf: {  	[dreg:$0x3] =	wrdreg s2  }
0xb0: {  	[dreg:$0x4] =	wrdreg $0xA2000  }
0xb1: {  	[dreg:$0x5] =	wrdreg $0x9  }
0xb2: {  	_ =	task.clear_ibuf [dreg:s7], $0x6FFFF;
	_ =	strace $0x90000046  }
0xb3: {  	s29 =	simm.s32 $0x9;
	_ =	strace $0x80000048  }
0xb4: {  	_ =	swait.ge [sflag:s29], $0x1  }
0xb5: {  	[sflag:s29] =	ssyncadd.s32 $0xFFFFFFFF  }
0xb6: {  	_ =	strace $0x90000048  }
0xb7: {  	_ =	sfence  }
0xb8: {  	s30 =	sld [smem:$0x0];
	_ =	sdelay $0x2  }
0xb9: {  	s31 =	sshll.u32 s1, $0xD;
	s1 =	sshrl.u32 s1, $0x2  }
0xba: {  	s3 =	sand.u32 $0x4000, s31;
	s1 =	sadd.s32 s1, s30  }
0xbb: {  	s0 =	sor.u32 s3, s0;
	s1 =	sshll.u32 s1, $0x11  }
0xbc: {  	s0 =	sor.u32 s1, s0  }
0xbd: {  	s0 =	sadd.s32 $0x8F2B, s0  }
0xbe: {  	[sflag:s0] =	ssyncadd.remote.s32 $0x1  }
0xbf: {  	_ =	sfence.sel $0xFFFF  }
0xc0: {  	[dreg:$0x0] =	wrdreg $0xFFFFFFFF;
	(pc) =	sbr.abs _section_cstart, $3  }
0xc1: {  	[dreg:$0x1] =	wrdreg $0xFFFFFFFF  }
0xc2: {  	_ =	task.clear_ibuf [dreg:s7], $0x2FFFF;
	_ =	strace $0x9FFFFFFF  }
0xc3: {  	(tm) =	ssettm $0x7FFFFFFF  }
tec
execute0_lowered:
.L_overlay_start_1:
0x0: {  	(tag) =	ssettag $0x1  }
0x1: {  	s5 =	rddreg [dreg:$0x0]  }
0x2: {  	s8 =	rddreg [dreg:$0x1]  }
0x3: {  	s2 =	rddreg [dreg:$0x2]  }
0x4: {  	s0 =	rddreg [dreg:$0x3]  }
0x5: {  	s3 =	simm.s32 $0x0;
	s1 =	stileid.u32;
	s6 =	srdreg.scid  }
0x6: {  	s13 =	simm.s32 $0x80;
	s15 =	simm.s32 $0x0;
	s4 =	smul.u32 $0x13C0, s1  }
0x7: {  	[smem:$0x7FF] =	sst s3;
	s6 =	sand.u32 $0x1, s6;
	s9 =	smul.u32 $0x4E40, s1  }
0x8: {  	s11 =	smul.u32 $0x1388, s1;
	s30 =	sshll.u32 s1, $0x6;
	_ =	strace $0x80000047  }
0x9: {  	s6 =	ssub.s32 $0x2, s6;
	s7 =	sadd.s32 s4, s5;
	s4 =	sadd.s32 $0x18000, s5  }
0xa: {  	s5 =	sadd.s32 $0x17E00, s5;
	s10 =	sshrl.u32 s6, $0x1;
	s9 =	sshrl.u32 s9, $0x2  }
0xb: {  	s31 =	sshrl.u32 s11, $0x3;
	s14 =	sadd.s32 s11, s2;
	s11 =	simm.s32 $0x1  }
0xc: {  	s10 =	ssub.s32 s6, s10;
	s12 =	sadd.s32 s9, s2;
	s6 =	sor.u32 $0x1C01, s30  }
0xd: {  	s7 =	sadd.s32 $0x4200, s7;
	s8 =	sadd.s32 s8, s31;
	s14 =	sshrl.u32 s14, $0x3  }
0xe: {  	s9 =	smax.u32 s10, $0x1;
	s10 =	sshrl.u32 s12, $0x3;
	s12 =	simm.s32 $0x9E00  }
.LBB2_1:
0xf: {  	[spmem:s10], [sflag:s6] =	dma.local [hbm:s4], $0x272  }
0x10: {  	_ =	swait.ge [sflag:s11], $0x272  }
0x11: {  	[sflag:s11] =	ssyncset.done $0x0  }
0x12: {  	[sflag:s11] =	ssyncadd.s32 $0xFFFFFD8E  }
0x13: {  	[tilespmem:s12], [sflag:$0x1] =	stream.linear.gather [hbm4b:s5+s3], $0x400, $0x38;
	[tilespmem:$0xB590] =	vst v63  }
0x14: {  	_ =	swait.ge [sflag:s11], $0x400  }
0x15: {  	[sflag:s11] =	ssyncset.done $0x0  }
0x16: {  	[sflag:s11] =	ssyncadd.s32 $0xFFFFFC00  }
0x17: {  	[tilespmem:s3], [sflag:$0x1] =	stream.linear.gather [hbm4b:s7+s3], $0x9E00, $0x38;
	[tilespmem:$0xB590] =	vst v63  }
0x18: {  	_ =	swait.ge [sflag:s11], $0x9E00  }
0x19: {  	[sflag:s11] =	ssyncset.done $0x0  }
0x1a: {  	[sflag:s11] =	ssyncadd.s32 $0xFFFF6200  }
0x1b: {  	s16 =	simm.s32 $0x80;
	[bflag:$0x0] =	sbarrier.arrive $0xFFFF  }
0x1c: {  	[spmem:s2] =	stream.indirect.scatter.add.f32 [tilespmem:s12], [sflag:$0x1], $0x8, s16, s13, $0xb8;
	[tilespmem:$0xB590] =	vst v63  }
0x1d: {  	_ =	swait.ge [sflag:s11], $0x400  }
0x1e: {  	s16 =	simm.s32 $0x600;
	[sflag:s11] =	ssyncset.done $0x0  }
.LBB2_2:
0x1f: {  	s17 =	sshra.s32 s16, $0x2;
	[sflag:s11] =	ssyncadd.s32 $0xFFFFFC00;
	p0 =	sne.s32 s16, $0x27600  }
0x20: {  	[spmem:s2] =	stream.indirect.scatter.add.f32 [tilespmem:s12], [sflag:$0x1], $0x8, s17, s13, $0xb8;
	[tilespmem:$0xB590] =	vst v63  }
.Ltmp0:
0x21: {  	_ = 	snop;
	(pc) =	sbr.rel @p0 .LBB2_2-.Ltmp0, $4  }
0x22: {  	_ = 	snop  }
0x23: {  	s16 =	sadd.s32 $0x400, s16  }
0x24: {  	_ =	swait.ge [sflag:s11], $0x400  }
0x25: {  	[sflag:s11] =	ssyncset.done $0x0  }
0x26: {  	s15 =	sadd.s32 $0x1, s15  }
0x27: {  	[sflag:s11] =	ssyncadd.s32 $0xFFFFFC00;
	p0 =	sne.s32 s15, s9  }
.Ltmp1:
0x28: {  	[bflag:$0x0] =	sbarrier.arrive $0xFFFF;
	(pc) =	sbr.rel @p0 .LBB2_1-.Ltmp1, $4  }
0x29: {  	[hbm:s8], [sflag:s6] =	dma.local [spmem:s14], $0x271  }
0x2a: {  	_ =	swait.ge [sflag:s11], $0x271  }
0x2b: {  	[sflag:s11] =	ssyncset.done $0x0  }
0x2c: {  	[sflag:s11] =	ssyncadd.s32 $0xFFFFFD8F  }
0x2d: {  	_ =	sfence.sel $0x180000  }
0x2e: {  	[bflag:$0x0] =	sbarrier.arrive $0xFFFF  }
0x2f: {  	p0 =	sne.s32 s1, $0x0;
	_ =	strace $0x90000047  }
0x30: {  	s0 =	sadd.s32 @!p0 $0x100000, s0;
	[bflag:$0x2] =	sbarrier.arrive $0xFFFF  }
0x31: {  	[sflag:s0] =	ssyncadd.tile.s32 @!p0 $0x1;
	_ =	shalt  }
.Lfunc_end2:
_tile_overlayer_lowered:
.L_overlay_start_2:
0x32: {  	(tag) =	ssettag $0x2  }
0x33: {  	s0 =	rddreg [dreg:$0x0];
	s2 =	stileid.u32  }
0x34: {  	s1 =	rddreg [dreg:$0x1];
	p0 =	sne.s32 s2, $0x0  }
0x35: {  	s3 =	rddreg [dreg:$0x2];
	[bflag:$0x3] =	sbarrier.arrive $0xFFFF;
	s2 =	simm.s32 @!p0 $0x1C01  }
0x36: {  	[timem:s3], [sflag:s2] =	dma.local @!p0 [hbm:s0], s1  }
0x37: {  	s0 =	simm.s32 @!p0 $0x1  }
0x38: {  	_ =	swait.ge @!p0 [sflag:s0], s1  }
0x39: {  	s1 =	ssub.s32 @!p0 $0x0, s1;
	[sflag:s0] =	ssyncset.done @!p0 $0x0  }
0x3a: {  	[sflag:s0] =	ssyncadd.s32 @!p0 s1  }
0x3b: {  	[bflag:$0x3] =	sbarrier.arrive $0xFFFF  }
0x3c: {  	_ =	shalt  }

</sc_bundles>
